<compile_context>
chip_gen: v7x
topology: tpu7x:2x2x1
jax: 0.10.2.dev20260603
libtpu: 0.0.44.dev20260713+nightly
codegen_flags: <defaults>
</compile_context>

<pallas_src>
import functools

import jax
import jax.numpy as jnp
from jax import lax
from jax.experimental import pallas as pl
from jax.experimental.pallas import tpu as pltpu
from jax.experimental.pallas import tpu_sc as plsc

N = 100000
E = 3200000
IN_DIM = 128
OUT_DIM = 128
FD = 16

_NC = 2
_NS = 16
_NW = _NC * _NS
_GE = 400
_NG = E // _GE
_NM = _NG // _NW
_NSLOT = 3
_RPT = 6256
_N_ACC = _NS * _RPT
_ZR = 391


def _sc_body(xcat_hbm, edges_hbm, out_hbm, src_v, dst_v, msgs_v, zbuf_v,
             acc_sh, lsem, gsem, ssem):
    cid = lax.axis_index("c")
    sid = lax.axis_index("s")
    wid = sid * _NC + cid

    def _zero_row(i, carry):
        zbuf_v[i, :] = jnp.zeros((FD,), jnp.float32)
        return carry

    lax.fori_loop(0, _ZR, _zero_row, 0)
    row0 = sid * _RPT
    for t in range(_RPT // _ZR):
        pltpu.sync_copy(zbuf_v, acc_sh.at[pl.ds(row0 + t * _ZR, _ZR)])
    plsc.subcore_barrier()

    c0 = wid * _NM

    def _idx_refs(m, sl):
        return ((edges_hbm.at[0, c0 + m], src_v.at[sl]),
                (edges_hbm.at[1, c0 + m], dst_v.at[sl]))

    def _idx_start(m, sl):
        for s, d in _idx_refs(m, sl):
            pltpu.async_copy(s, d, lsem.at[sl])

    def _idx_wait(m, sl):
        for s, d in _idx_refs(m, sl):
            pltpu.make_async_copy(s, d, lsem.at[sl]).wait()

    def _gather_start(sl):
        pltpu.async_copy(xcat_hbm.at[src_v.at[sl]], msgs_v.at[sl],
                         gsem.at[sl])

    def _gather_wait(sl):
        pltpu.make_async_copy(xcat_hbm.at[src_v.at[sl]], msgs_v.at[sl],
                              gsem.at[sl]).wait()

    def _scatter_start(sl):
        pltpu.async_copy(msgs_v.at[sl], acc_sh.at[dst_v.at[sl]],
                         ssem.at[sl], add=True)

    def _scatter_wait(sl):
        pltpu.make_async_copy(msgs_v.at[sl], acc_sh.at[dst_v.at[sl]],
                              ssem.at[sl]).wait()

    _idx_start(0, 0)
    _idx_start(1, 1)
    _idx_wait(0, 0)
    _gather_start(0)

    def _step(m, carry):
        sl = m % _NSLOT
        sn = (m + 1) % _NSLOT
        sp = (m + 2) % _NSLOT
        _gather_wait(sl)
        _scatter_start(sl)

        @pl.when(m >= 1)
        def _free_prev():
            _scatter_wait(sp)

        @pl.when(m + 1 < _NM)
        def _next_gather():
            _idx_wait(m + 1, sn)
            _gather_start(sn)

        @pl.when(m + 2 < _NM)
        def _next_idx():
            _idx_start(m + 2, sp)

        return carry

    lax.fori_loop(0, _NM, _step, 0)
    _scatter_wait((_NM - 1) % _NSLOT)

    plsc.subcore_barrier()
    pltpu.sync_copy(acc_sh.at[pl.ds(row0, _RPT)], out_hbm.at[cid, sid])


@functools.cache
def _sc_aggregate():
    return pl.kernel(
        _sc_body,
        out_type=jax.ShapeDtypeStruct((_NC, _NS, _RPT, FD), jnp.float32),
        mesh=plsc.VectorSubcoreMesh(core_axis_name="c", subcore_axis_name="s"),
        scratch_types=[
            pltpu.VMEM((_NSLOT, _GE), jnp.int32),
            pltpu.VMEM((_NSLOT, _GE), jnp.int32),
            pltpu.VMEM((_NSLOT, _GE, FD), jnp.float32),
            pltpu.VMEM((_ZR, FD), jnp.float32),
            pltpu.VMEM_SHARED((_N_ACC, FD), jnp.float32),
            pltpu.SemaphoreType.DMA((_NSLOT,)),
            pltpu.SemaphoreType.DMA((_NSLOT,)),
            pltpu.SemaphoreType.DMA((_NSLOT,)),
        ],
        compiler_params=pltpu.CompilerParams(use_tc_tiling_on_sc=False),
    )


_TB = 256
_TN = _TB * (IN_DIM // FD)
_NT = (N + _TN - 1) // _TN


_PK = IN_DIM // FD


def _tc_body(xp_ref, p0_ref, p1_ref, w1big_ref, sel_ref, exp_ref, w_ref,
             b_ref, out_ref):
    sums = p0_ref[0] + p1_ref[0]
    deg8 = jnp.maximum(
        jnp.dot(sums, sel_ref[...], preferred_element_type=jnp.float32), 1.0)
    rb = jnp.dot(1.0 / deg8, exp_ref[...],
                 preferred_element_type=jnp.float32)
    zp = xp_ref[...] + sums * rb
    h = jnp.dot(zp, w1big_ref[0], preferred_element_type=jnp.float32)
    for j in range(_PK):
        yj = jnp.dot(h[:, j * IN_DIM:(j + 1) * IN_DIM], w_ref[...],
                     preferred_element_type=jnp.float32) + b_ref[...]
        out_ref[0, :, j, :] = jnp.maximum(yj, 0.0)


def _tc_finish(xp, pp, w1big, sel, expand, w, b2d):
    return pl.pallas_call(
        _tc_body,
        grid=(2, _NT),
        in_specs=[
            pl.BlockSpec((_TB, IN_DIM), lambda s, n: (n, 0)),
            pl.BlockSpec((1, _TB, IN_DIM), lambda s, n: (0, n, 0)),
            pl.BlockSpec((1, _TB, IN_DIM), lambda s, n: (1, n, 0)),
            pl.BlockSpec((1, IN_DIM, _PK * IN_DIM), lambda s, n: (s, 0, 0)),
            pl.BlockSpec((IN_DIM, _PK), lambda s, n: (0, 0)),
            pl.BlockSpec((_PK, IN_DIM), lambda s, n: (0, 0)),
            pl.BlockSpec((IN_DIM, OUT_DIM), lambda s, n: (0, 0)),
            pl.BlockSpec((1, OUT_DIM), lambda s, n: (0, 0)),
        ],
        out_specs=pl.BlockSpec((1, _TB, _PK, OUT_DIM), lambda s, n: (s, n, 0, 0)),
        out_shape=jax.ShapeDtypeStruct((2, N // _PK, _PK, OUT_DIM), jnp.float32),
    )(xp, pp, pp, w1big, sel, expand, w, b2d)


def kernel(x, samples, edge_index, W_1, b_1, W, b):
    del b_1
    x0 = x[samples[0]]
    x1 = x[samples[1]]
    xcat = jnp.concatenate(
        [x0, x1,
         jnp.ones((N, 1), jnp.float32),
         jnp.zeros((N, FD - 11), jnp.float32)], axis=1)
    edges3 = edge_index.reshape(2, _NG, _GE)

    partials = _sc_aggregate()(xcat, edges3)

    w1big = jnp.zeros((2, _PK, FD, _PK, IN_DIM), jnp.float32)
    for j in range(_PK):
        w1big = (w1big.at[0, j, 0:5, j].set(W_1)
                      .at[1, j, 5:10, j].set(W_1))
    w1big = w1big.reshape(2, IN_DIM, _PK * IN_DIM)
    sel = jnp.zeros((_PK, FD, _PK), jnp.float32)
    for j in range(_PK):
        sel = sel.at[j, 10, j].set(1.0)
    sel = sel.reshape(IN_DIM, _PK)
    expand = jnp.zeros((_PK, _PK, FD), jnp.float32)
    for j in range(_PK):
        expand = expand.at[j, j].set(1.0)
    expand = expand.reshape(_PK, IN_DIM)

    pp = partials.reshape(_NC, _N_ACC * FD // IN_DIM, IN_DIM)
    xp = xcat.reshape(N * FD // IN_DIM, IN_DIM)
    out4 = _tc_finish(xp, pp, w1big, sel, expand, W, b.reshape(1, OUT_DIM))
    return out4.reshape(2, N, OUT_DIM)

# --- scband reference (transcript-rebuilt; emitter-appended) ---
"""Pipeline reference for scband-encoder-11974368821732 (READ-ONLY COPY).

The authoritative reference and input builder live on the scoring server;
editing this copy changes nothing except your own understanding.
"""

import jax, jax.numpy as jnp
import numpy as np

N = 100000
E = 3200000
S_TOTAL = 4
S = 2
IN_DIM = 128
OUT_DIM = 128


def setup_inputs(seed: int = 0) -> dict:
    key = jax.random.key(seed)
    k1, k2, k3, k4, k5, k6 = jax.random.split(key, 6)
    x = jax.random.normal(k1, (S_TOTAL, N, 5), dtype=jnp.float32)
    samples = jnp.arange(S, dtype=jnp.int32)
    edge_index = jax.random.randint(k2, (2, E), 0, N, dtype=jnp.int32)
    std = 1.0 / np.sqrt(OUT_DIM)  # torch: 1/sqrt(W.size(1))
    W = jax.random.uniform(k3, (IN_DIM, OUT_DIM), minval=-std, maxval=std, dtype=jnp.float32)
    b = jax.random.uniform(k4, (OUT_DIM,), minval=-std, maxval=std, dtype=jnp.float32)
    W_1 = jax.random.uniform(k5, (5, IN_DIM), minval=-std, maxval=std, dtype=jnp.float32)
    b_1 = jax.random.uniform(k6, (IN_DIM,), minval=-std, maxval=std, dtype=jnp.float32)
    return {"x": x, "samples": samples, "edge_index": edge_index, "W_1": W_1, "b_1": b_1, "W": W, "b": b}


def reference(x, samples, edge_index, W_1, b_1, W, b):
    # Faithful translation of Encoder.forward. The aggregator is modeled as
    # mean aggregation over graph edges (message passing): for each sample's
    # raw 5-dim node features, gather along src, segment-sum into dst, divide
    # by in-degree. b_1 is declared in the torch module but never used in
    # forward, so it is unused here as well.
    src = edge_index[0]
    dst = edge_index[1]
    ones = jnp.ones((E,), dtype=jnp.float32)
    deg = jax.ops.segment_sum(ones, dst, num_segments=N)
    deg = jnp.maximum(deg, 1.0)
    outs = []
    for i in range(S):
        sample_x = x[samples[i]]            # [N, 5]
        self_feats = sample_x @ W_1         # [N, IN_DIM]
        msgs = jnp.take(sample_x, src, axis=0)  # gather [E, 5]
        neigh5 = jax.ops.segment_sum(msgs, dst, num_segments=N) / deg[:, None]
        neigh_feats = neigh5 @ W_1          # [N, IN_DIM]
        combined = self_feats + neigh_feats  # combine == 'sum'
        y = combined @ W + b
        outs.append(jax.nn.relu(y))
    out = jnp.squeeze(jnp.stack(outs, axis=0))
    return out

if __name__ == "__main__":
    import jax
    _d = setup_inputs()
    print(jax.jit(kernel)(*tuple(_d.values())))

</pallas_src>

<mosaic_0001>
#map = affine_map<(d0, d1) -> (0, 0)>
#map1 = affine_map<(d0, d1) -> (0, 0, 0)>
#map2 = affine_map<(d0, d1) -> (0, 0, 0, 0)>
module attributes {stable_mosaic.version = 14 : i64} {
  func.func @_sc_body(%arg0: i32, %arg1: i32, %arg2: memref<100000x16xf32, #tpu.memory_space<hbm>>, %arg3: memref<2x8000x400xi32, #tpu.memory_space<hbm>>, %arg4: memref<2x16x6256x16xf32, #tpu.memory_space<hbm>>, %arg5: memref<3x400xi32, #tpu.memory_space<vmem>>, %arg6: memref<3x400xi32, #tpu.memory_space<vmem>>, %arg7: memref<3x400x16xf32, #tpu.memory_space<vmem>>, %arg8: memref<391x16xf32, #tpu.memory_space<vmem>>, %arg9: memref<100096x16xf32, #tpu.memory_space<vmem_shared>>, %arg10: memref<3x!tpu.dma_semaphore, #tpu.memory_space<semaphore_mem>>, %arg11: memref<3x!tpu.dma_semaphore, #tpu.memory_space<semaphore_mem>>, %arg12: memref<3x!tpu.dma_semaphore, #tpu.memory_space<semaphore_mem>>) attributes {dimension_semantics = [#tpu.dimension_semantics<core_parallel>, #tpu.dimension_semantics<subcore_parallel>], iteration_bounds = array<i64: 2, 16>, scalar_prefetch = 0 : i64, scratch_operands = 8 : i64, tpu.core_type = #tpu.core_type<sc_vector_subcore>, window_params = [{transform_indices = #map}, {transform_indices = #map1}, {transform_indices = #map2}]} {
    %mul3A = arith.constant 2 : i32
    %mul3A_0 = arith.muli %arg1, %mul3A : i32
    %add3A = arith.addi %mul3A_0, %arg0 : i32
    %scan3A = arith.constant 0 : i32
    %scan3A_1 = arith.constant 0 : i32
    %scan3A_2 = arith.constant 391 : i32
    %scan3A_3 = arith.addi %scan3A_1, %scan3A_2 : i32
    %scan3A_4 = arith.constant 1 : i32
    scf.for %scan3A_191 = %scan3A_1 to %scan3A_3 step %scan3A_4  : i32 {
      %broadcast_in_dim3A = arith.constant 0.000000e+00 : f32
      %broadcast_in_dim3A_192 = vector.broadcast %broadcast_in_dim3A : f32 to vector<16xf32>
      %swap3A = arith.index_cast %scan3A_191 : i32 to index
      %swap3A_193 = arith.constant 0 : index
      %swap3A_194 = tpu.vector_load %arg8[%swap3A, %swap3A_193] {strides = array<i32>} : memref<391x16xf32, #tpu.memory_space<vmem>>, vector<1x16xf32>,
      %swap3A_195 = vector.shape_cast %swap3A_194 : vector<1x16xf32> to vector<16xf32>
      %swap3A_196 = vector.shape_cast %broadcast_in_dim3A_192 : vector<16xf32> to vector<1x16xf32>
      tpu.vector_store %arg8[%swap3A, %swap3A_193], %swap3A_196 {strides = array<i32>} : memref<391x16xf32, #tpu.memory_space<vmem>>, vector<1x16xf32>,
    }
    %scan3A_5 = arith.constant 391 : i32
    %mul3A_6 = arith.constant 6256 : i32
    %mul3A_7 = arith.muli %arg1, %mul3A_6 : i32
    %add3A_8 = arith.constant 0 : i32
    %add3A_9 = arith.addi %mul3A_7, %add3A_8 : i32
    "tpu.region"() ({
      %run_scoped3A = tpu.sem_alloc : memref<!tpu.dma_semaphore, #tpu.memory_space<semaphore_mem>>
      %dma_start3A_191 = arith.constant 0 : i32
      %dma_start3A_192 = tpu.memref_slice %arg9[%add3A_9, %dma_start3A_191] : memref<100096x16xf32, #tpu.memory_space<vmem_shared>> -> memref<391x16xf32, #tpu.memory_space<vmem_shared>>
      %dma_start3A_193 = arith.constant 0 : i32
      %dma_start3A_194 = tpu.memref_slice %arg9[%add3A_9, %dma_start3A_193] : memref<100096x16xf32, #tpu.memory_space<vmem_shared>> -> memref<391x16xf32, #tpu.memory_space<vmem_shared>>
      tpu.enqueue_dma source(%arg8 : memref<391x16xf32, #tpu.memory_space<vmem>>) target(%dma_start3A_194 : memref<391x16xf32, #tpu.memory_space<vmem_shared>>) target_semaphore(%run_scoped3A : memref<!tpu.dma_semaphore, #tpu.memory_space<semaphore_mem>>)
      %dma_wait3A_195 = arith.constant 0 : i32
      %dma_wait3A_196 = tpu.memref_slice %arg9[%add3A_9, %dma_wait3A_195] : memref<100096x16xf32, #tpu.memory_space<vmem_shared>> -> memref<391x16xf32, #tpu.memory_space<vmem_shared>>
      %dma_wait3A_197 = arith.constant 0 : i32
      %dma_wait3A_198 = tpu.memref_slice %arg9[%add3A_9, %dma_wait3A_197] : memref<100096x16xf32, #tpu.memory_space<vmem_shared>> -> memref<391x16xf32, #tpu.memory_space<vmem_shared>>
      tpu.wait_dma2 semaphore(%run_scoped3A : memref<!tpu.dma_semaphore, #tpu.memory_space<semaphore_mem>>) src(%arg8 : memref<391x16xf32, #tpu.memory_space<vmem>>) dst(%dma_wait3A_198 : memref<391x16xf32, #tpu.memory_space<vmem_shared>>)
      tpu.yield
    }) : () -> ()
    %add3A_10 = arith.constant 391 : i32
    %add3A_11 = arith.addi %mul3A_7, %add3A_10 : i32
    "tpu.region"() ({
      %run_scoped3A = tpu.sem_alloc : memref<!tpu.dma_semaphore, #tpu.memory_space<semaphore_mem>>
      %dma_start3A_191 = arith.constant 0 : i32
      %dma_start3A_192 = tpu.memref_slice %arg9[%add3A_11, %dma_start3A_191] : memref<100096x16xf32, #tpu.memory_space<vmem_shared>> -> memref<391x16xf32, #tpu.memory_space<vmem_shared>>
      %dma_start3A_193 = arith.constant 0 : i32
      %dma_start3A_194 = tpu.memref_slice %arg9[%add3A_11, %dma_start3A_193] : memref<100096x16xf32, #tpu.memory_space<vmem_shared>> -> memref<391x16xf32, #tpu.memory_space<vmem_shared>>
      tpu.enqueue_dma source(%arg8 : memref<391x16xf32, #tpu.memory_space<vmem>>) target(%dma_start3A_194 : memref<391x16xf32, #tpu.memory_space<vmem_shared>>) target_semaphore(%run_scoped3A : memref<!tpu.dma_semaphore, #tpu.memory_space<semaphore_mem>>)
      %dma_wait3A_195 = arith.constant 0 : i32
      %dma_wait3A_196 = tpu.memref_slice %arg9[%add3A_11, %dma_wait3A_195] : memref<100096x16xf32, #tpu.memory_space<vmem_shared>> -> memref<391x16xf32, #tpu.memory_space<vmem_shared>>
      %dma_wait3A_197 = arith.constant 0 : i32
      %dma_wait3A_198 = tpu.memref_slice %arg9[%add3A_11, %dma_wait3A_197] : memref<100096x16xf32, #tpu.memory_space<vmem_shared>> -> memref<391x16xf32, #tpu.memory_space<vmem_shared>>
      tpu.wait_dma2 semaphore(%run_scoped3A : memref<!tpu.dma_semaphore, #tpu.memory_space<semaphore_mem>>) src(%arg8 : memref<391x16xf32, #tpu.memory_space<vmem>>) dst(%dma_wait3A_198 : memref<391x16xf32, #tpu.memory_space<vmem_shared>>)
      tpu.yield
    }) : () -> ()
    %add3A_12 = arith.constant 782 : i32
    %add3A_13 = arith.addi %mul3A_7, %add3A_12 : i32
    "tpu.region"() ({
      %run_scoped3A = tpu.sem_alloc : memref<!tpu.dma_semaphore, #tpu.memory_space<semaphore_mem>>
      %dma_start3A_191 = arith.constant 0 : i32
      %dma_start3A_192 = tpu.memref_slice %arg9[%add3A_13, %dma_start3A_191] : memref<100096x16xf32, #tpu.memory_space<vmem_shared>> -> memref<391x16xf32, #tpu.memory_space<vmem_shared>>
      %dma_start3A_193 = arith.constant 0 : i32
      %dma_start3A_194 = tpu.memref_slice %arg9[%add3A_13, %dma_start3A_193] : memref<100096x16xf32, #tpu.memory_space<vmem_shared>> -> memref<391x16xf32, #tpu.memory_space<vmem_shared>>
      tpu.enqueue_dma source(%arg8 : memref<391x16xf32, #tpu.memory_space<vmem>>) target(%dma_start3A_194 : memref<391x16xf32, #tpu.memory_space<vmem_shared>>) target_semaphore(%run_scoped3A : memref<!tpu.dma_semaphore, #tpu.memory_space<semaphore_mem>>)
      %dma_wait3A_195 = arith.constant 0 : i32
      %dma_wait3A_196 = tpu.memref_slice %arg9[%add3A_13, %dma_wait3A_195] : memref<100096x16xf32, #tpu.memory_space<vmem_shared>> -> memref<391x16xf32, #tpu.memory_space<vmem_shared>>
      %dma_wait3A_197 = arith.constant 0 : i32
      %dma_wait3A_198 = tpu.memref_slice %arg9[%add3A_13, %dma_wait3A_197] : memref<100096x16xf32, #tpu.memory_space<vmem_shared>> -> memref<391x16xf32, #tpu.memory_space<vmem_shared>>
      tpu.wait_dma2 semaphore(%run_scoped3A : memref<!tpu.dma_semaphore, #tpu.memory_space<semaphore_mem>>) src(%arg8 : memref<391x16xf32, #tpu.memory_space<vmem>>) dst(%dma_wait3A_198 : memref<391x16xf32, #tpu.memory_space<vmem_shared>>)
      tpu.yield
    }) : () -> ()
    %add3A_14 = arith.constant 1173 : i32
    %add3A_15 = arith.addi %mul3A_7, %add3A_14 : i32
    "tpu.region"() ({
      %run_scoped3A = tpu.sem_alloc : memref<!tpu.dma_semaphore, #tpu.memory_space<semaphore_mem>>
      %dma_start3A_191 = arith.constant 0 : i32
      %dma_start3A_192 = tpu.memref_slice %arg9[%add3A_15, %dma_start3A_191] : memref<100096x16xf32, #tpu.memory_space<vmem_shared>> -> memref<391x16xf32, #tpu.memory_space<vmem_shared>>
      %dma_start3A_193 = arith.constant 0 : i32
      %dma_start3A_194 = tpu.memref_slice %arg9[%add3A_15, %dma_start3A_193] : memref<100096x16xf32, #tpu.memory_space<vmem_shared>> -> memref<391x16xf32, #tpu.memory_space<vmem_shared>>
      tpu.enqueue_dma source(%arg8 : memref<391x16xf32, #tpu.memory_space<vmem>>) target(%dma_start3A_194 : memref<391x16xf32, #tpu.memory_space<vmem_shared>>) target_semaphore(%run_scoped3A : memref<!tpu.dma_semaphore, #tpu.memory_space<semaphore_mem>>)
      %dma_wait3A_195 = arith.constant 0 : i32
      %dma_wait3A_196 = tpu.memref_slice %arg9[%add3A_15, %dma_wait3A_195] : memref<100096x16xf32, #tpu.memory_space<vmem_shared>> -> memref<391x16xf32, #tpu.memory_space<vmem_shared>>
      %dma_wait3A_197 = arith.constant 0 : i32
      %dma_wait3A_198 = tpu.memref_slice %arg9[%add3A_15, %dma_wait3A_197] : memref<100096x16xf32, #tpu.memory_space<vmem_shared>> -> memref<391x16xf32, #tpu.memory_space<vmem_shared>>
      tpu.wait_dma2 semaphore(%run_scoped3A : memref<!tpu.dma_semaphore, #tpu.memory_space<semaphore_mem>>) src(%arg8 : memref<391x16xf32, #tpu.memory_space<vmem>>) dst(%dma_wait3A_198 : memref<391x16xf32, #tpu.memory_space<vmem_shared>>)
      tpu.yield
    }) : () -> ()
    %add3A_16 = arith.constant 1564 : i32
    %add3A_17 = arith.addi %mul3A_7, %add3A_16 : i32
    "tpu.region"() ({
      %run_scoped3A = tpu.sem_alloc : memref<!tpu.dma_semaphore, #tpu.memory_space<semaphore_mem>>
      %dma_start3A_191 = arith.constant 0 : i32
      %dma_start3A_192 = tpu.memref_slice %arg9[%add3A_17, %dma_start3A_191] : memref<100096x16xf32, #tpu.memory_space<vmem_shared>> -> memref<391x16xf32, #tpu.memory_space<vmem_shared>>
      %dma_start3A_193 = arith.constant 0 : i32
      %dma_start3A_194 = tpu.memref_slice %arg9[%add3A_17, %dma_start3A_193] : memref<100096x16xf32, #tpu.memory_space<vmem_shared>> -> memref<391x16xf32, #tpu.memory_space<vmem_shared>>
      tpu.enqueue_dma source(%arg8 : memref<391x16xf32, #tpu.memory_space<vmem>>) target(%dma_start3A_194 : memref<391x16xf32, #tpu.memory_space<vmem_shared>>) target_semaphore(%run_scoped3A : memref<!tpu.dma_semaphore, #tpu.memory_space<semaphore_mem>>)
      %dma_wait3A_195 = arith.constant 0 : i32
      %dma_wait3A_196 = tpu.memref_slice %arg9[%add3A_17, %dma_wait3A_195] : memref<100096x16xf32, #tpu.memory_space<vmem_shared>> -> memref<391x16xf32, #tpu.memory_space<vmem_shared>>
      %dma_wait3A_197 = arith.constant 0 : i32
      %dma_wait3A_198 = tpu.memref_slice %arg9[%add3A_17, %dma_wait3A_197] : memref<100096x16xf32, #tpu.memory_space<vmem_shared>> -> memref<391x16xf32, #tpu.memory_space<vmem_shared>>
      tpu.wait_dma2 semaphore(%run_scoped3A : memref<!tpu.dma_semaphore, #tpu.memory_space<semaphore_mem>>) src(%arg8 : memref<391x16xf32, #tpu.memory_space<vmem>>) dst(%dma_wait3A_198 : memref<391x16xf32, #tpu.memory_space<vmem_shared>>)
      tpu.yield
    }) : () -> ()
    %add3A_18 = arith.constant 1955 : i32
    %add3A_19 = arith.addi %mul3A_7, %add3A_18 : i32
    "tpu.region"() ({
      %run_scoped3A = tpu.sem_alloc : memref<!tpu.dma_semaphore, #tpu.memory_space<semaphore_mem>>
      %dma_start3A_191 = arith.constant 0 : i32
      %dma_start3A_192 = tpu.memref_slice %arg9[%add3A_19, %dma_start3A_191] : memref<100096x16xf32, #tpu.memory_space<vmem_shared>> -> memref<391x16xf32, #tpu.memory_space<vmem_shared>>
      %dma_start3A_193 = arith.constant 0 : i32
      %dma_start3A_194 = tpu.memref_slice %arg9[%add3A_19, %dma_start3A_193] : memref<100096x16xf32, #tpu.memory_space<vmem_shared>> -> memref<391x16xf32, #tpu.memory_space<vmem_shared>>
      tpu.enqueue_dma source(%arg8 : memref<391x16xf32, #tpu.memory_space<vmem>>) target(%dma_start3A_194 : memref<391x16xf32, #tpu.memory_space<vmem_shared>>) target_semaphore(%run_scoped3A : memref<!tpu.dma_semaphore, #tpu.memory_space<semaphore_mem>>)
      %dma_wait3A_195 = arith.constant 0 : i32
      %dma_wait3A_196 = tpu.memref_slice %arg9[%add3A_19, %dma_wait3A_195] : memref<100096x16xf32, #tpu.memory_space<vmem_shared>> -> memref<391x16xf32, #tpu.memory_space<vmem_shared>>
      %dma_wait3A_197 = arith.constant 0 : i32
      %dma_wait3A_198 = tpu.memref_slice %arg9[%add3A_19, %dma_wait3A_197] : memref<100096x16xf32, #tpu.memory_space<vmem_shared>> -> memref<391x16xf32, #tpu.memory_space<vmem_shared>>
      tpu.wait_dma2 semaphore(%run_scoped3A : memref<!tpu.dma_semaphore, #tpu.memory_space<semaphore_mem>>) src(%arg8 : memref<391x16xf32, #tpu.memory_space<vmem>>) dst(%dma_wait3A_198 : memref<391x16xf32, #tpu.memory_space<vmem_shared>>)
      tpu.yield
    }) : () -> ()
    %add3A_20 = arith.constant 2346 : i32
    %add3A_21 = arith.addi %mul3A_7, %add3A_20 : i32
    "tpu.region"() ({
      %run_scoped3A = tpu.sem_alloc : memref<!tpu.dma_semaphore, #tpu.memory_space<semaphore_mem>>
      %dma_start3A_191 = arith.constant 0 : i32
      %dma_start3A_192 = tpu.memref_slice %arg9[%add3A_21, %dma_start3A_191] : memref<100096x16xf32, #tpu.memory_space<vmem_shared>> -> memref<391x16xf32, #tpu.memory_space<vmem_shared>>
      %dma_start3A_193 = arith.constant 0 : i32
      %dma_start3A_194 = tpu.memref_slice %arg9[%add3A_21, %dma_start3A_193] : memref<100096x16xf32, #tpu.memory_space<vmem_shared>> -> memref<391x16xf32, #tpu.memory_space<vmem_shared>>
      tpu.enqueue_dma source(%arg8 : memref<391x16xf32, #tpu.memory_space<vmem>>) target(%dma_start3A_194 : memref<391x16xf32, #tpu.memory_space<vmem_shared>>) target_semaphore(%run_scoped3A : memref<!tpu.dma_semaphore, #tpu.memory_space<semaphore_mem>>)
      %dma_wait3A_195 = arith.constant 0 : i32
      %dma_wait3A_196 = tpu.memref_slice %arg9[%add3A_21, %dma_wait3A_195] : memref<100096x16xf32, #tpu.memory_space<vmem_shared>> -> memref<391x16xf32, #tpu.memory_space<vmem_shared>>
      %dma_wait3A_197 = arith.constant 0 : i32
      %dma_wait3A_198 = tpu.memref_slice %arg9[%add3A_21, %dma_wait3A_197] : memref<100096x16xf32, #tpu.memory_space<vmem_shared>> -> memref<391x16xf32, #tpu.memory_space<vmem_shared>>
      tpu.wait_dma2 semaphore(%run_scoped3A : memref<!tpu.dma_semaphore, #tpu.memory_space<semaphore_mem>>) src(%arg8 : memref<391x16xf32, #tpu.memory_space<vmem>>) dst(%dma_wait3A_198 : memref<391x16xf32, #tpu.memory_space<vmem_shared>>)
      tpu.yield
    }) : () -> ()
    %add3A_22 = arith.constant 2737 : i32
    %add3A_23 = arith.addi %mul3A_7, %add3A_22 : i32
    "tpu.region"() ({
      %run_scoped3A = tpu.sem_alloc : memref<!tpu.dma_semaphore, #tpu.memory_space<semaphore_mem>>
      %dma_start3A_191 = arith.constant 0 : i32
      %dma_start3A_192 = tpu.memref_slice %arg9[%add3A_23, %dma_start3A_191] : memref<100096x16xf32, #tpu.memory_space<vmem_shared>> -> memref<391x16xf32, #tpu.memory_space<vmem_shared>>
      %dma_start3A_193 = arith.constant 0 : i32
      %dma_start3A_194 = tpu.memref_slice %arg9[%add3A_23, %dma_start3A_193] : memref<100096x16xf32, #tpu.memory_space<vmem_shared>> -> memref<391x16xf32, #tpu.memory_space<vmem_shared>>
      tpu.enqueue_dma source(%arg8 : memref<391x16xf32, #tpu.memory_space<vmem>>) target(%dma_start3A_194 : memref<391x16xf32, #tpu.memory_space<vmem_shared>>) target_semaphore(%run_scoped3A : memref<!tpu.dma_semaphore, #tpu.memory_space<semaphore_mem>>)
      %dma_wait3A_195 = arith.constant 0 : i32
      %dma_wait3A_196 = tpu.memref_slice %arg9[%add3A_23, %dma_wait3A_195] : memref<100096x16xf32, #tpu.memory_space<vmem_shared>> -> memref<391x16xf32, #tpu.memory_space<vmem_shared>>
      %dma_wait3A_197 = arith.constant 0 : i32
      %dma_wait3A_198 = tpu.memref_slice %arg9[%add3A_23, %dma_wait3A_197] : memref<100096x16xf32, #tpu.memory_space<vmem_shared>> -> memref<391x16xf32, #tpu.memory_space<vmem_shared>>
      tpu.wait_dma2 semaphore(%run_scoped3A : memref<!tpu.dma_semaphore, #tpu.memory_space<semaphore_mem>>) src(%arg8 : memref<391x16xf32, #tpu.memory_space<vmem>>) dst(%dma_wait3A_198 : memref<391x16xf32, #tpu.memory_space<vmem_shared>>)
      tpu.yield
    }) : () -> ()
    %add3A_24 = arith.constant 3128 : i32
    %add3A_25 = arith.addi %mul3A_7, %add3A_24 : i32
    "tpu.region"() ({
      %run_scoped3A = tpu.sem_alloc : memref<!tpu.dma_semaphore, #tpu.memory_space<semaphore_mem>>
      %dma_start3A_191 = arith.constant 0 : i32
      %dma_start3A_192 = tpu.memref_slice %arg9[%add3A_25, %dma_start3A_191] : memref<100096x16xf32, #tpu.memory_space<vmem_shared>> -> memref<391x16xf32, #tpu.memory_space<vmem_shared>>
      %dma_start3A_193 = arith.constant 0 : i32
      %dma_start3A_194 = tpu.memref_slice %arg9[%add3A_25, %dma_start3A_193] : memref<100096x16xf32, #tpu.memory_space<vmem_shared>> -> memref<391x16xf32, #tpu.memory_space<vmem_shared>>
      tpu.enqueue_dma source(%arg8 : memref<391x16xf32, #tpu.memory_space<vmem>>) target(%dma_start3A_194 : memref<391x16xf32, #tpu.memory_space<vmem_shared>>) target_semaphore(%run_scoped3A : memref<!tpu.dma_semaphore, #tpu.memory_space<semaphore_mem>>)
      %dma_wait3A_195 = arith.constant 0 : i32
      %dma_wait3A_196 = tpu.memref_slice %arg9[%add3A_25, %dma_wait3A_195] : memref<100096x16xf32, #tpu.memory_space<vmem_shared>> -> memref<391x16xf32, #tpu.memory_space<vmem_shared>>
      %dma_wait3A_197 = arith.constant 0 : i32
      %dma_wait3A_198 = tpu.memref_slice %arg9[%add3A_25, %dma_wait3A_197] : memref<100096x16xf32, #tpu.memory_space<vmem_shared>> -> memref<391x16xf32, #tpu.memory_space<vmem_shared>>
      tpu.wait_dma2 semaphore(%run_scoped3A : memref<!tpu.dma_semaphore, #tpu.memory_space<semaphore_mem>>) src(%arg8 : memref<391x16xf32, #tpu.memory_space<vmem>>) dst(%dma_wait3A_198 : memref<391x16xf32, #tpu.memory_space<vmem_shared>>)
      tpu.yield
    }) : () -> ()
    %add3A_26 = arith.constant 3519 : i32
    %add3A_27 = arith.addi %mul3A_7, %add3A_26 : i32
    "tpu.region"() ({
      %run_scoped3A = tpu.sem_alloc : memref<!tpu.dma_semaphore, #tpu.memory_space<semaphore_mem>>
      %dma_start3A_191 = arith.constant 0 : i32
      %dma_start3A_192 = tpu.memref_slice %arg9[%add3A_27, %dma_start3A_191] : memref<100096x16xf32, #tpu.memory_space<vmem_shared>> -> memref<391x16xf32, #tpu.memory_space<vmem_shared>>
      %dma_start3A_193 = arith.constant 0 : i32
      %dma_start3A_194 = tpu.memref_slice %arg9[%add3A_27, %dma_start3A_193] : memref<100096x16xf32, #tpu.memory_space<vmem_shared>> -> memref<391x16xf32, #tpu.memory_space<vmem_shared>>
      tpu.enqueue_dma source(%arg8 : memref<391x16xf32, #tpu.memory_space<vmem>>) target(%dma_start3A_194 : memref<391x16xf32, #tpu.memory_space<vmem_shared>>) target_semaphore(%run_scoped3A : memref<!tpu.dma_semaphore, #tpu.memory_space<semaphore_mem>>)
      %dma_wait3A_195 = arith.constant 0 : i32
      %dma_wait3A_196 = tpu.memref_slice %arg9[%add3A_27, %dma_wait3A_195] : memref<100096x16xf32, #tpu.memory_space<vmem_shared>> -> memref<391x16xf32, #tpu.memory_space<vmem_shared>>
      %dma_wait3A_197 = arith.constant 0 : i32
      %dma_wait3A_198 = tpu.memref_slice %arg9[%add3A_27, %dma_wait3A_197] : memref<100096x16xf32, #tpu.memory_space<vmem_shared>> -> memref<391x16xf32, #tpu.memory_space<vmem_shared>>
      tpu.wait_dma2 semaphore(%run_scoped3A : memref<!tpu.dma_semaphore, #tpu.memory_space<semaphore_mem>>) src(%arg8 : memref<391x16xf32, #tpu.memory_space<vmem>>) dst(%dma_wait3A_198 : memref<391x16xf32, #tpu.memory_space<vmem_shared>>)
      tpu.yield
    }) : () -> ()
    %add3A_28 = arith.constant 3910 : i32
    %add3A_29 = arith.addi %mul3A_7, %add3A_28 : i32
    "tpu.region"() ({
      %run_scoped3A = tpu.sem_alloc : memref<!tpu.dma_semaphore, #tpu.memory_space<semaphore_mem>>
      %dma_start3A_191 = arith.constant 0 : i32
      %dma_start3A_192 = tpu.memref_slice %arg9[%add3A_29, %dma_start3A_191] : memref<100096x16xf32, #tpu.memory_space<vmem_shared>> -> memref<391x16xf32, #tpu.memory_space<vmem_shared>>
      %dma_start3A_193 = arith.constant 0 : i32
      %dma_start3A_194 = tpu.memref_slice %arg9[%add3A_29, %dma_start3A_193] : memref<100096x16xf32, #tpu.memory_space<vmem_shared>> -> memref<391x16xf32, #tpu.memory_space<vmem_shared>>
      tpu.enqueue_dma source(%arg8 : memref<391x16xf32, #tpu.memory_space<vmem>>) target(%dma_start3A_194 : memref<391x16xf32, #tpu.memory_space<vmem_shared>>) target_semaphore(%run_scoped3A : memref<!tpu.dma_semaphore, #tpu.memory_space<semaphore_mem>>)
      %dma_wait3A_195 = arith.constant 0 : i32
      %dma_wait3A_196 = tpu.memref_slice %arg9[%add3A_29, %dma_wait3A_195] : memref<100096x16xf32, #tpu.memory_space<vmem_shared>> -> memref<391x16xf32, #tpu.memory_space<vmem_shared>>
      %dma_wait3A_197 = arith.constant 0 : i32
      %dma_wait3A_198 = tpu.memref_slice %arg9[%add3A_29, %dma_wait3A_197] : memref<100096x16xf32, #tpu.memory_space<vmem_shared>> -> memref<391x16xf32, #tpu.memory_space<vmem_shared>>
      tpu.wait_dma2 semaphore(%run_scoped3A : memref<!tpu.dma_semaphore, #tpu.memory_space<semaphore_mem>>) src(%arg8 : memref<391x16xf32, #tpu.memory_space<vmem>>) dst(%dma_wait3A_198 : memref<391x16xf32, #tpu.memory_space<vmem_shared>>)
      tpu.yield
    }) : () -> ()
    %add3A_30 = arith.constant 4301 : i32
    %add3A_31 = arith.addi %mul3A_7, %add3A_30 : i32
    "tpu.region"() ({
      %run_scoped3A = tpu.sem_alloc : memref<!tpu.dma_semaphore, #tpu.memory_space<semaphore_mem>>
      %dma_start3A_191 = arith.constant 0 : i32
      %dma_start3A_192 = tpu.memref_slice %arg9[%add3A_31, %dma_start3A_191] : memref<100096x16xf32, #tpu.memory_space<vmem_shared>> -> memref<391x16xf32, #tpu.memory_space<vmem_shared>>
      %dma_start3A_193 = arith.constant 0 : i32
      %dma_start3A_194 = tpu.memref_slice %arg9[%add3A_31, %dma_start3A_193] : memref<100096x16xf32, #tpu.memory_space<vmem_shared>> -> memref<391x16xf32, #tpu.memory_space<vmem_shared>>
      tpu.enqueue_dma source(%arg8 : memref<391x16xf32, #tpu.memory_space<vmem>>) target(%dma_start3A_194 : memref<391x16xf32, #tpu.memory_space<vmem_shared>>) target_semaphore(%run_scoped3A : memref<!tpu.dma_semaphore, #tpu.memory_space<semaphore_mem>>)
      %dma_wait3A_195 = arith.constant 0 : i32
      %dma_wait3A_196 = tpu.memref_slice %arg9[%add3A_31, %dma_wait3A_195] : memref<100096x16xf32, #tpu.memory_space<vmem_shared>> -> memref<391x16xf32, #tpu.memory_space<vmem_shared>>
      %dma_wait3A_197 = arith.constant 0 : i32
      %dma_wait3A_198 = tpu.memref_slice %arg9[%add3A_31, %dma_wait3A_197] : memref<100096x16xf32, #tpu.memory_space<vmem_shared>> -> memref<391x16xf32, #tpu.memory_space<vmem_shared>>
      tpu.wait_dma2 semaphore(%run_scoped3A : memref<!tpu.dma_semaphore, #tpu.memory_space<semaphore_mem>>) src(%arg8 : memref<391x16xf32, #tpu.memory_space<vmem>>) dst(%dma_wait3A_198 : memref<391x16xf32, #tpu.memory_space<vmem_shared>>)
      tpu.yield
    }) : () -> ()
    %add3A_32 = arith.constant 4692 : i32
    %add3A_33 = arith.addi %mul3A_7, %add3A_32 : i32
    "tpu.region"() ({
      %run_scoped3A = tpu.sem_alloc : memref<!tpu.dma_semaphore, #tpu.memory_space<semaphore_mem>>
      %dma_start3A_191 = arith.constant 0 : i32
      %dma_start3A_192 = tpu.memref_slice %arg9[%add3A_33, %dma_start3A_191] : memref<100096x16xf32, #tpu.memory_space<vmem_shared>> -> memref<391x16xf32, #tpu.memory_space<vmem_shared>>
      %dma_start3A_193 = arith.constant 0 : i32
      %dma_start3A_194 = tpu.memref_slice %arg9[%add3A_33, %dma_start3A_193] : memref<100096x16xf32, #tpu.memory_space<vmem_shared>> -> memref<391x16xf32, #tpu.memory_space<vmem_shared>>
      tpu.enqueue_dma source(%arg8 : memref<391x16xf32, #tpu.memory_space<vmem>>) target(%dma_start3A_194 : memref<391x16xf32, #tpu.memory_space<vmem_shared>>) target_semaphore(%run_scoped3A : memref<!tpu.dma_semaphore, #tpu.memory_space<semaphore_mem>>)
      %dma_wait3A_195 = arith.constant 0 : i32
      %dma_wait3A_196 = tpu.memref_slice %arg9[%add3A_33, %dma_wait3A_195] : memref<100096x16xf32, #tpu.memory_space<vmem_shared>> -> memref<391x16xf32, #tpu.memory_space<vmem_shared>>
      %dma_wait3A_197 = arith.constant 0 : i32
      %dma_wait3A_198 = tpu.memref_slice %arg9[%add3A_33, %dma_wait3A_197] : memref<100096x16xf32, #tpu.memory_space<vmem_shared>> -> memref<391x16xf32, #tpu.memory_space<vmem_shared>>
      tpu.wait_dma2 semaphore(%run_scoped3A : memref<!tpu.dma_semaphore, #tpu.memory_space<semaphore_mem>>) src(%arg8 : memref<391x16xf32, #tpu.memory_space<vmem>>) dst(%dma_wait3A_198 : memref<391x16xf32, #tpu.memory_space<vmem_shared>>)
      tpu.yield
    }) : () -> ()
    %add3A_34 = arith.constant 5083 : i32
    %add3A_35 = arith.addi %mul3A_7, %add3A_34 : i32
    "tpu.region"() ({
      %run_scoped3A = tpu.sem_alloc : memref<!tpu.dma_semaphore, #tpu.memory_space<semaphore_mem>>
      %dma_start3A_191 = arith.constant 0 : i32
      %dma_start3A_192 = tpu.memref_slice %arg9[%add3A_35, %dma_start3A_191] : memref<100096x16xf32, #tpu.memory_space<vmem_shared>> -> memref<391x16xf32, #tpu.memory_space<vmem_shared>>
      %dma_start3A_193 = arith.constant 0 : i32
      %dma_start3A_194 = tpu.memref_slice %arg9[%add3A_35, %dma_start3A_193] : memref<100096x16xf32, #tpu.memory_space<vmem_shared>> -> memref<391x16xf32, #tpu.memory_space<vmem_shared>>
      tpu.enqueue_dma source(%arg8 : memref<391x16xf32, #tpu.memory_space<vmem>>) target(%dma_start3A_194 : memref<391x16xf32, #tpu.memory_space<vmem_shared>>) target_semaphore(%run_scoped3A : memref<!tpu.dma_semaphore, #tpu.memory_space<semaphore_mem>>)
      %dma_wait3A_195 = arith.constant 0 : i32
      %dma_wait3A_196 = tpu.memref_slice %arg9[%add3A_35, %dma_wait3A_195] : memref<100096x16xf32, #tpu.memory_space<vmem_shared>> -> memref<391x16xf32, #tpu.memory_space<vmem_shared>>
      %dma_wait3A_197 = arith.constant 0 : i32
      %dma_wait3A_198 = tpu.memref_slice %arg9[%add3A_35, %dma_wait3A_197] : memref<100096x16xf32, #tpu.memory_space<vmem_shared>> -> memref<391x16xf32, #tpu.memory_space<vmem_shared>>
      tpu.wait_dma2 semaphore(%run_scoped3A : memref<!tpu.dma_semaphore, #tpu.memory_space<semaphore_mem>>) src(%arg8 : memref<391x16xf32, #tpu.memory_space<vmem>>) dst(%dma_wait3A_198 : memref<391x16xf32, #tpu.memory_space<vmem_shared>>)
      tpu.yield
    }) : () -> ()
    %add3A_36 = arith.constant 5474 : i32
    %add3A_37 = arith.addi %mul3A_7, %add3A_36 : i32
    "tpu.region"() ({
      %run_scoped3A = tpu.sem_alloc : memref<!tpu.dma_semaphore, #tpu.memory_space<semaphore_mem>>
      %dma_start3A_191 = arith.constant 0 : i32
      %dma_start3A_192 = tpu.memref_slice %arg9[%add3A_37, %dma_start3A_191] : memref<100096x16xf32, #tpu.memory_space<vmem_shared>> -> memref<391x16xf32, #tpu.memory_space<vmem_shared>>
      %dma_start3A_193 = arith.constant 0 : i32
      %dma_start3A_194 = tpu.memref_slice %arg9[%add3A_37, %dma_start3A_193] : memref<100096x16xf32, #tpu.memory_space<vmem_shared>> -> memref<391x16xf32, #tpu.memory_space<vmem_shared>>
      tpu.enqueue_dma source(%arg8 : memref<391x16xf32, #tpu.memory_space<vmem>>) target(%dma_start3A_194 : memref<391x16xf32, #tpu.memory_space<vmem_shared>>) target_semaphore(%run_scoped3A : memref<!tpu.dma_semaphore, #tpu.memory_space<semaphore_mem>>)
      %dma_wait3A_195 = arith.constant 0 : i32
      %dma_wait3A_196 = tpu.memref_slice %arg9[%add3A_37, %dma_wait3A_195] : memref<100096x16xf32, #tpu.memory_space<vmem_shared>> -> memref<391x16xf32, #tpu.memory_space<vmem_shared>>
      %dma_wait3A_197 = arith.constant 0 : i32
      %dma_wait3A_198 = tpu.memref_slice %arg9[%add3A_37, %dma_wait3A_197] : memref<100096x16xf32, #tpu.memory_space<vmem_shared>> -> memref<391x16xf32, #tpu.memory_space<vmem_shared>>
      tpu.wait_dma2 semaphore(%run_scoped3A : memref<!tpu.dma_semaphore, #tpu.memory_space<semaphore_mem>>) src(%arg8 : memref<391x16xf32, #tpu.memory_space<vmem>>) dst(%dma_wait3A_198 : memref<391x16xf32, #tpu.memory_space<vmem_shared>>)
      tpu.yield
    }) : () -> ()
    %add3A_38 = arith.constant 5865 : i32
    %add3A_39 = arith.addi %mul3A_7, %add3A_38 : i32
    "tpu.region"() ({
      %run_scoped3A = tpu.sem_alloc : memref<!tpu.dma_semaphore, #tpu.memory_space<semaphore_mem>>
      %dma_start3A_191 = arith.constant 0 : i32
      %dma_start3A_192 = tpu.memref_slice %arg9[%add3A_39, %dma_start3A_191] : memref<100096x16xf32, #tpu.memory_space<vmem_shared>> -> memref<391x16xf32, #tpu.memory_space<vmem_shared>>
      %dma_start3A_193 = arith.constant 0 : i32
      %dma_start3A_194 = tpu.memref_slice %arg9[%add3A_39, %dma_start3A_193] : memref<100096x16xf32, #tpu.memory_space<vmem_shared>> -> memref<391x16xf32, #tpu.memory_space<vmem_shared>>
      tpu.enqueue_dma source(%arg8 : memref<391x16xf32, #tpu.memory_space<vmem>>) target(%dma_start3A_194 : memref<391x16xf32, #tpu.memory_space<vmem_shared>>) target_semaphore(%run_scoped3A : memref<!tpu.dma_semaphore, #tpu.memory_space<semaphore_mem>>)
      %dma_wait3A_195 = arith.constant 0 : i32
      %dma_wait3A_196 = tpu.memref_slice %arg9[%add3A_39, %dma_wait3A_195] : memref<100096x16xf32, #tpu.memory_space<vmem_shared>> -> memref<391x16xf32, #tpu.memory_space<vmem_shared>>
      %dma_wait3A_197 = arith.constant 0 : i32
      %dma_wait3A_198 = tpu.memref_slice %arg9[%add3A_39, %dma_wait3A_197] : memref<100096x16xf32, #tpu.memory_space<vmem_shared>> -> memref<391x16xf32, #tpu.memory_space<vmem_shared>>
      tpu.wait_dma2 semaphore(%run_scoped3A : memref<!tpu.dma_semaphore, #tpu.memory_space<semaphore_mem>>) src(%arg8 : memref<391x16xf32, #tpu.memory_space<vmem>>) dst(%dma_wait3A_198 : memref<391x16xf32, #tpu.memory_space<vmem_shared>>)
      tpu.yield
    }) : () -> ()
    %barrier3A = arith.constant 0 : index
    tpu.barrier barrier_id(%barrier3A)
    %mul3A_40 = arith.constant 250 : i32
    %mul3A_41 = arith.muli %add3A, %mul3A_40 : i32
    %add3A_42 = arith.constant 0 : i32
    %add3A_43 = arith.addi %mul3A_41, %add3A_42 : i32
    %add3A_44 = arith.constant 0 : i32
    %add3A_45 = arith.addi %mul3A_41, %add3A_44 : i32
    %dma_start3A = arith.constant 0 : i32
    %dma_start3A_46 = arith.constant 0 : i32
    %dma_start3A_47 = arith.constant 0 : i32
    %dma_start3A_48 = arith.constant 0 : i32
    %dma_start3A_49 = tpu.memref_slice %arg5[%dma_start3A_46, %dma_start3A_48] : memref<3x400xi32, #tpu.memory_space<vmem>> -> memref<1x400xi32, #tpu.memory_space<vmem>>
    %dma_start3A_50 = tpu.memref_squeeze %dma_start3A_49 : memref<1x400xi32, #tpu.memory_space<vmem>> -> memref<400xi32, #tpu.memory_space<vmem>>
    %dma_start3A_51 = arith.constant 0 : i32
    %dma_start3A_52 = tpu.memref_slice %arg3[%dma_start3A, %add3A_43, %dma_start3A_51] : memref<2x8000x400xi32, #tpu.memory_space<hbm>> -> memref<1x1x400xi32, #tpu.memory_space<hbm>>
    %dma_start3A_53 = tpu.memref_squeeze %dma_start3A_52 : memref<1x1x400xi32, #tpu.memory_space<hbm>> -> memref<400xi32, #tpu.memory_space<hbm>>
    %dma_start3A_54 = tpu.memref_slice %arg10[%dma_start3A_47] : memref<3x!tpu.dma_semaphore, #tpu.memory_space<semaphore_mem>> -> memref<1x!tpu.dma_semaphore, #tpu.memory_space<semaphore_mem>>
    %dma_start3A_55 = tpu.memref_squeeze %dma_start3A_54 : memref<1x!tpu.dma_semaphore, #tpu.memory_space<semaphore_mem>> -> memref<!tpu.dma_semaphore, #tpu.memory_space<semaphore_mem>>
    %dma_start3A_56 = arith.constant 0 : i32
    %dma_start3A_57 = tpu.memref_slice %arg5[%dma_start3A_46, %dma_start3A_56] : memref<3x400xi32, #tpu.memory_space<vmem>> -> memref<1x400xi32, #tpu.memory_space<vmem>>
    %dma_start3A_58 = tpu.memref_squeeze %dma_start3A_57 : memref<1x400xi32, #tpu.memory_space<vmem>> -> memref<400xi32, #tpu.memory_space<vmem>>
    %dma_start3A_59 = arith.constant 0 : i32
    %dma_start3A_60 = tpu.memref_slice %arg3[%dma_start3A, %add3A_43, %dma_start3A_59] : memref<2x8000x400xi32, #tpu.memory_space<hbm>> -> memref<1x1x400xi32, #tpu.memory_space<hbm>>
    %dma_start3A_61 = tpu.memref_squeeze %dma_start3A_60 : memref<1x1x400xi32, #tpu.memory_space<hbm>> -> memref<400xi32, #tpu.memory_space<hbm>>
    tpu.enqueue_dma source(%dma_start3A_61 : memref<400xi32, #tpu.memory_space<hbm>>) target(%dma_start3A_58 : memref<400xi32, #tpu.memory_space<vmem>>) target_semaphore(%dma_start3A_55 : memref<!tpu.dma_semaphore, #tpu.memory_space<semaphore_mem>>)
    %dma_start3A_62 = arith.constant 1 : i32
    %dma_start3A_63 = arith.constant 0 : i32
    %dma_start3A_64 = arith.constant 0 : i32
    %dma_start3A_65 = arith.constant 0 : i32
    %dma_start3A_66 = tpu.memref_slice %arg6[%dma_start3A_63, %dma_start3A_65] : memref<3x400xi32, #tpu.memory_space<vmem>> -> memref<1x400xi32, #tpu.memory_space<vmem>>
    %dma_start3A_67 = tpu.memref_squeeze %dma_start3A_66 : memref<1x400xi32, #tpu.memory_space<vmem>> -> memref<400xi32, #tpu.memory_space<vmem>>
    %dma_start3A_68 = arith.constant 0 : i32
    %dma_start3A_69 = tpu.memref_slice %arg3[%dma_start3A_62, %add3A_45, %dma_start3A_68] : memref<2x8000x400xi32, #tpu.memory_space<hbm>> -> memref<1x1x400xi32, #tpu.memory_space<hbm>>
    %dma_start3A_70 = tpu.memref_squeeze %dma_start3A_69 : memref<1x1x400xi32, #tpu.memory_space<hbm>> -> memref<400xi32, #tpu.memory_space<hbm>>
    %dma_start3A_71 = tpu.memref_slice %arg10[%dma_start3A_64] : memref<3x!tpu.dma_semaphore, #tpu.memory_space<semaphore_mem>> -> memref<1x!tpu.dma_semaphore, #tpu.memory_space<semaphore_mem>>
    %dma_start3A_72 = tpu.memref_squeeze %dma_start3A_71 : memref<1x!tpu.dma_semaphore, #tpu.memory_space<semaphore_mem>> -> memref<!tpu.dma_semaphore, #tpu.memory_space<semaphore_mem>>
    %dma_start3A_73 = arith.constant 0 : i32
    %dma_start3A_74 = tpu.memref_slice %arg6[%dma_start3A_63, %dma_start3A_73] : memref<3x400xi32, #tpu.memory_space<vmem>> -> memref<1x400xi32, #tpu.memory_space<vmem>>
    %dma_start3A_75 = tpu.memref_squeeze %dma_start3A_74 : memref<1x400xi32, #tpu.memory_space<vmem>> -> memref<400xi32, #tpu.memory_space<vmem>>
    %dma_start3A_76 = arith.constant 0 : i32
    %dma_start3A_77 = tpu.memref_slice %arg3[%dma_start3A_62, %add3A_45, %dma_start3A_76] : memref<2x8000x400xi32, #tpu.memory_space<hbm>> -> memref<1x1x400xi32, #tpu.memory_space<hbm>>
    %dma_start3A_78 = tpu.memref_squeeze %dma_start3A_77 : memref<1x1x400xi32, #tpu.memory_space<hbm>> -> memref<400xi32, #tpu.memory_space<hbm>>
    tpu.enqueue_dma source(%dma_start3A_78 : memref<400xi32, #tpu.memory_space<hbm>>) target(%dma_start3A_75 : memref<400xi32, #tpu.memory_space<vmem>>) target_semaphore(%dma_start3A_72 : memref<!tpu.dma_semaphore, #tpu.memory_space<semaphore_mem>>)
    %add3A_79 = arith.constant 1 : i32
    %add3A_80 = arith.addi %mul3A_41, %add3A_79 : i32
    %add3A_81 = arith.constant 1 : i32
    %add3A_82 = arith.addi %mul3A_41, %add3A_81 : i32
    %dma_start3A_83 = arith.constant 0 : i32
    %dma_start3A_84 = arith.constant 1 : i32
    %dma_start3A_85 = arith.constant 1 : i32
    %dma_start3A_86 = arith.constant 0 : i32
    %dma_start3A_87 = tpu.memref_slice %arg5[%dma_start3A_84, %dma_start3A_86] : memref<3x400xi32, #tpu.memory_space<vmem>> -> memref<1x400xi32, #tpu.memory_space<vmem>>
    %dma_start3A_88 = tpu.memref_squeeze %dma_start3A_87 : memref<1x400xi32, #tpu.memory_space<vmem>> -> memref<400xi32, #tpu.memory_space<vmem>>
    %dma_start3A_89 = arith.constant 0 : i32
    %dma_start3A_90 = tpu.memref_slice %arg3[%dma_start3A_83, %add3A_80, %dma_start3A_89] : memref<2x8000x400xi32, #tpu.memory_space<hbm>> -> memref<1x1x400xi32, #tpu.memory_space<hbm>>
    %dma_start3A_91 = tpu.memref_squeeze %dma_start3A_90 : memref<1x1x400xi32, #tpu.memory_space<hbm>> -> memref<400xi32, #tpu.memory_space<hbm>>
    %dma_start3A_92 = tpu.memref_slice %arg10[%dma_start3A_85] : memref<3x!tpu.dma_semaphore, #tpu.memory_space<semaphore_mem>> -> memref<1x!tpu.dma_semaphore, #tpu.memory_space<semaphore_mem>>
    %dma_start3A_93 = tpu.memref_squeeze %dma_start3A_92 : memref<1x!tpu.dma_semaphore, #tpu.memory_space<semaphore_mem>> -> memref<!tpu.dma_semaphore, #tpu.memory_space<semaphore_mem>>
    %dma_start3A_94 = arith.constant 0 : i32
    %dma_start3A_95 = tpu.memref_slice %arg5[%dma_start3A_84, %dma_start3A_94] : memref<3x400xi32, #tpu.memory_space<vmem>> -> memref<1x400xi32, #tpu.memory_space<vmem>>
    %dma_start3A_96 = tpu.memref_squeeze %dma_start3A_95 : memref<1x400xi32, #tpu.memory_space<vmem>> -> memref<400xi32, #tpu.memory_space<vmem>>
    %dma_start3A_97 = arith.constant 0 : i32
    %dma_start3A_98 = tpu.memref_slice %arg3[%dma_start3A_83, %add3A_80, %dma_start3A_97] : memref<2x8000x400xi32, #tpu.memory_space<hbm>> -> memref<1x1x400xi32, #tpu.memory_space<hbm>>
    %dma_start3A_99 = tpu.memref_squeeze %dma_start3A_98 : memref<1x1x400xi32, #tpu.memory_space<hbm>> -> memref<400xi32, #tpu.memory_space<hbm>>
    tpu.enqueue_dma source(%dma_start3A_99 : memref<400xi32, #tpu.memory_space<hbm>>) target(%dma_start3A_96 : memref<400xi32, #tpu.memory_space<vmem>>) target_semaphore(%dma_start3A_93 : memref<!tpu.dma_semaphore, #tpu.memory_space<semaphore_mem>>)
    %dma_start3A_100 = arith.constant 1 : i32
    %dma_start3A_101 = arith.constant 1 : i32
    %dma_start3A_102 = arith.constant 1 : i32
    %dma_start3A_103 = arith.constant 0 : i32
    %dma_start3A_104 = tpu.memref_slice %arg6[%dma_start3A_101, %dma_start3A_103] : memref<3x400xi32, #tpu.memory_space<vmem>> -> memref<1x400xi32, #tpu.memory_space<vmem>>
    %dma_start3A_105 = tpu.memref_squeeze %dma_start3A_104 : memref<1x400xi32, #tpu.memory_space<vmem>> -> memref<400xi32, #tpu.memory_space<vmem>>
    %dma_start3A_106 = arith.constant 0 : i32
    %dma_start3A_107 = tpu.memref_slice %arg3[%dma_start3A_100, %add3A_82, %dma_start3A_106] : memref<2x8000x400xi32, #tpu.memory_space<hbm>> -> memref<1x1x400xi32, #tpu.memory_space<hbm>>
    %dma_start3A_108 = tpu.memref_squeeze %dma_start3A_107 : memref<1x1x400xi32, #tpu.memory_space<hbm>> -> memref<400xi32, #tpu.memory_space<hbm>>
    %dma_start3A_109 = tpu.memref_slice %arg10[%dma_start3A_102] : memref<3x!tpu.dma_semaphore, #tpu.memory_space<semaphore_mem>> -> memref<1x!tpu.dma_semaphore, #tpu.memory_space<semaphore_mem>>
    %dma_start3A_110 = tpu.memref_squeeze %dma_start3A_109 : memref<1x!tpu.dma_semaphore, #tpu.memory_space<semaphore_mem>> -> memref<!tpu.dma_semaphore, #tpu.memory_space<semaphore_mem>>
    %dma_start3A_111 = arith.constant 0 : i32
    %dma_start3A_112 = tpu.memref_slice %arg6[%dma_start3A_101, %dma_start3A_111] : memref<3x400xi32, #tpu.memory_space<vmem>> -> memref<1x400xi32, #tpu.memory_space<vmem>>
    %dma_start3A_113 = tpu.memref_squeeze %dma_start3A_112 : memref<1x400xi32, #tpu.memory_space<vmem>> -> memref<400xi32, #tpu.memory_space<vmem>>
    %dma_start3A_114 = arith.constant 0 : i32
    %dma_start3A_115 = tpu.memref_slice %arg3[%dma_start3A_100, %add3A_82, %dma_start3A_114] : memref<2x8000x400xi32, #tpu.memory_space<hbm>> -> memref<1x1x400xi32, #tpu.memory_space<hbm>>
    %dma_start3A_116 = tpu.memref_squeeze %dma_start3A_115 : memref<1x1x400xi32, #tpu.memory_space<hbm>> -> memref<400xi32, #tpu.memory_space<hbm>>
    tpu.enqueue_dma source(%dma_start3A_116 : memref<400xi32, #tpu.memory_space<hbm>>) target(%dma_start3A_113 : memref<400xi32, #tpu.memory_space<vmem>>) target_semaphore(%dma_start3A_110 : memref<!tpu.dma_semaphore, #tpu.memory_space<semaphore_mem>>)
    %add3A_117 = arith.constant 0 : i32
    %add3A_118 = arith.addi %mul3A_41, %add3A_117 : i32
    %add3A_119 = arith.constant 0 : i32
    %add3A_120 = arith.addi %mul3A_41, %add3A_119 : i32
    %dma_wait3A = arith.constant 0 : i32
    %dma_wait3A_121 = arith.constant 0 : i32
    %dma_wait3A_122 = arith.constant 0 : i32
    %dma_wait3A_123 = arith.constant 0 : i32
    %dma_wait3A_124 = tpu.memref_slice %arg5[%dma_wait3A_121, %dma_wait3A_123] : memref<3x400xi32, #tpu.memory_space<vmem>> -> memref<1x400xi32, #tpu.memory_space<vmem>>
    %dma_wait3A_125 = tpu.memref_squeeze %dma_wait3A_124 : memref<1x400xi32, #tpu.memory_space<vmem>> -> memref<400xi32, #tpu.memory_space<vmem>>
    %dma_wait3A_126 = arith.constant 0 : i32
    %dma_wait3A_127 = tpu.memref_slice %arg3[%dma_wait3A, %add3A_118, %dma_wait3A_126] : memref<2x8000x400xi32, #tpu.memory_space<hbm>> -> memref<1x1x400xi32, #tpu.memory_space<hbm>>
    %dma_wait3A_128 = tpu.memref_squeeze %dma_wait3A_127 : memref<1x1x400xi32, #tpu.memory_space<hbm>> -> memref<400xi32, #tpu.memory_space<hbm>>
    %dma_wait3A_129 = tpu.memref_slice %arg10[%dma_wait3A_122] : memref<3x!tpu.dma_semaphore, #tpu.memory_space<semaphore_mem>> -> memref<1x!tpu.dma_semaphore, #tpu.memory_space<semaphore_mem>>
    %dma_wait3A_130 = tpu.memref_squeeze %dma_wait3A_129 : memref<1x!tpu.dma_semaphore, #tpu.memory_space<semaphore_mem>> -> memref<!tpu.dma_semaphore, #tpu.memory_space<semaphore_mem>>
    %dma_wait3A_131 = arith.constant 0 : i32
    %dma_wait3A_132 = tpu.memref_slice %arg5[%dma_wait3A_121, %dma_wait3A_131] : memref<3x400xi32, #tpu.memory_space<vmem>> -> memref<1x400xi32, #tpu.memory_space<vmem>>
    %dma_wait3A_133 = tpu.memref_squeeze %dma_wait3A_132 : memref<1x400xi32, #tpu.memory_space<vmem>> -> memref<400xi32, #tpu.memory_space<vmem>>
    %dma_wait3A_134 = arith.constant 0 : i32
    %dma_wait3A_135 = tpu.memref_slice %arg3[%dma_wait3A, %add3A_118, %dma_wait3A_134] : memref<2x8000x400xi32, #tpu.memory_space<hbm>> -> memref<1x1x400xi32, #tpu.memory_space<hbm>>
    %dma_wait3A_136 = tpu.memref_squeeze %dma_wait3A_135 : memref<1x1x400xi32, #tpu.memory_space<hbm>> -> memref<400xi32, #tpu.memory_space<hbm>>
    tpu.wait_dma2 semaphore(%dma_wait3A_130 : memref<!tpu.dma_semaphore, #tpu.memory_space<semaphore_mem>>) src(%dma_wait3A_136 : memref<400xi32, #tpu.memory_space<hbm>>) dst(%dma_wait3A_133 : memref<400xi32, #tpu.memory_space<vmem>>)
    %dma_wait3A_137 = arith.constant 1 : i32
    %dma_wait3A_138 = arith.constant 0 : i32
    %dma_wait3A_139 = arith.constant 0 : i32
    %dma_wait3A_140 = arith.constant 0 : i32
    %dma_wait3A_141 = tpu.memref_slice %arg6[%dma_wait3A_138, %dma_wait3A_140] : memref<3x400xi32, #tpu.memory_space<vmem>> -> memref<1x400xi32, #tpu.memory_space<vmem>>
    %dma_wait3A_142 = tpu.memref_squeeze %dma_wait3A_141 : memref<1x400xi32, #tpu.memory_space<vmem>> -> memref<400xi32, #tpu.memory_space<vmem>>
    %dma_wait3A_143 = arith.constant 0 : i32
    %dma_wait3A_144 = tpu.memref_slice %arg3[%dma_wait3A_137, %add3A_120, %dma_wait3A_143] : memref<2x8000x400xi32, #tpu.memory_space<hbm>> -> memref<1x1x400xi32, #tpu.memory_space<hbm>>
    %dma_wait3A_145 = tpu.memref_squeeze %dma_wait3A_144 : memref<1x1x400xi32, #tpu.memory_space<hbm>> -> memref<400xi32, #tpu.memory_space<hbm>>
    %dma_wait3A_146 = tpu.memref_slice %arg10[%dma_wait3A_139] : memref<3x!tpu.dma_semaphore, #tpu.memory_space<semaphore_mem>> -> memref<1x!tpu.dma_semaphore, #tpu.memory_space<semaphore_mem>>
    %dma_wait3A_147 = tpu.memref_squeeze %dma_wait3A_146 : memref<1x!tpu.dma_semaphore, #tpu.memory_space<semaphore_mem>> -> memref<!tpu.dma_semaphore, #tpu.memory_space<semaphore_mem>>
    %dma_wait3A_148 = arith.constant 0 : i32
    %dma_wait3A_149 = tpu.memref_slice %arg6[%dma_wait3A_138, %dma_wait3A_148] : memref<3x400xi32, #tpu.memory_space<vmem>> -> memref<1x400xi32, #tpu.memory_space<vmem>>
    %dma_wait3A_150 = tpu.memref_squeeze %dma_wait3A_149 : memref<1x400xi32, #tpu.memory_space<vmem>> -> memref<400xi32, #tpu.memory_space<vmem>>
    %dma_wait3A_151 = arith.constant 0 : i32
    %dma_wait3A_152 = tpu.memref_slice %arg3[%dma_wait3A_137, %add3A_120, %dma_wait3A_151] : memref<2x8000x400xi32, #tpu.memory_space<hbm>> -> memref<1x1x400xi32, #tpu.memory_space<hbm>>
    %dma_wait3A_153 = tpu.memref_squeeze %dma_wait3A_152 : memref<1x1x400xi32, #tpu.memory_space<hbm>> -> memref<400xi32, #tpu.memory_space<hbm>>
    tpu.wait_dma2 semaphore(%dma_wait3A_147 : memref<!tpu.dma_semaphore, #tpu.memory_space<semaphore_mem>>) src(%dma_wait3A_153 : memref<400xi32, #tpu.memory_space<hbm>>) dst(%dma_wait3A_150 : memref<400xi32, #tpu.memory_space<vmem>>)
    %dma_start3A_154 = arith.constant 0 : i32
    %dma_start3A_155 = arith.constant 0 : i32
    %dma_start3A_156 = arith.constant 0 : i32
    %dma_start3A_157 = arith.constant 0 : i32
    %dma_start3A_158 = arith.constant 0 : i32
    %dma_start3A_159 = tpu.memref_slice %arg7[%dma_start3A_155, %dma_start3A_157, %dma_start3A_158] : memref<3x400x16xf32, #tpu.memory_space<vmem>> -> memref<1x400x16xf32, #tpu.memory_space<vmem>>
    %dma_start3A_160 = tpu.memref_squeeze %dma_start3A_159 : memref<1x400x16xf32, #tpu.memory_space<vmem>> -> memref<400x16xf32, #tpu.memory_space<vmem>>
    %dma_start3A_161 = arith.constant 0 : i32
    %dma_start3A_162 = tpu.memref_slice %arg5[%dma_start3A_154, %dma_start3A_161] : memref<3x400xi32, #tpu.memory_space<vmem>> -> memref<1x400xi32, #tpu.memory_space<vmem>>
    %dma_start3A_163 = tpu.memref_squeeze %dma_start3A_162 : memref<1x400xi32, #tpu.memory_space<vmem>> -> memref<400xi32, #tpu.memory_space<vmem>>
    %dma_start3A_164 = arith.constant 0 : i32
    %dma_start3A_165 = arith.constant 0 : i32
    %dma_start3A_166 = tpu.memref_slice %arg2[%dma_start3A_164, %dma_start3A_165] : memref<100000x16xf32, #tpu.memory_space<hbm>> -> memref<100000x16xf32, #tpu.memory_space<hbm>>
    %dma_start3A_167 = tpu.memref_slice %arg11[%dma_start3A_156] : memref<3x!tpu.dma_semaphore, #tpu.memory_space<semaphore_mem>> -> memref<1x!tpu.dma_semaphore, #tpu.memory_space<semaphore_mem>>
    %dma_start3A_168 = tpu.memref_squeeze %dma_start3A_167 : memref<1x!tpu.dma_semaphore, #tpu.memory_space<semaphore_mem>> -> memref<!tpu.dma_semaphore, #tpu.memory_space<semaphore_mem>>
    tpu.enqueue_indirect_dma source(%dma_start3A_166 : memref<100000x16xf32, #tpu.memory_space<hbm>>) target(%dma_start3A_160 : memref<400x16xf32, #tpu.memory_space<vmem>>) offsets(%dma_start3A_163 : memref<400xi32, #tpu.memory_space<vmem>>) semaphore(%dma_start3A_168 : memref<!tpu.dma_semaphore, #tpu.memory_space<semaphore_mem>>)
    %scan3A_169 = arith.constant 0 : i32
    %scan3A_170 = arith.constant 0 : i32
    %scan3A_171 = arith.constant 250 : i32
    %scan3A_172 = arith.addi %scan3A_170, %scan3A_171 : i32
    %scan3A_173 = arith.constant 1 : i32
    scf.for %scan3A_191 = %scan3A_170 to %scan3A_172 step %scan3A_173  : i32 {
      %jit3A = arith.constant 3 : i32
      %eq3A = arith.constant 0 : i32
      %eq3A_192 = arith.cmpi eq, %jit3A, %eq3A : i32
      %jit3A_193 = arith.constant 1 : i32
      %select_n3A = arith.select %eq3A_192, %jit3A_193, %jit3A : i32
      %rem3A = arith.remsi %scan3A_191, %select_n3A : i32
      %ne3A = arith.constant 0 : i32
      %ne3A_194 = arith.cmpi ne, %rem3A, %ne3A : i32
      %lt3A = arith.constant 0 : i32
      %lt3A_195 = arith.cmpi slt, %rem3A, %lt3A : i32
      %lt3A_196 = arith.constant 0 : i32
      %lt3A_197 = arith.cmpi slt, %select_n3A, %lt3A_196 : i32
      %ne3A_198 = arith.xori %lt3A_195, %lt3A_197 : i1
      %and3A = arith.andi %ne3A_198, %ne3A_194 : i1
      %add3A_199 = arith.addi %rem3A, %select_n3A : i32
      %select_n3A_200 = arith.select %and3A, %add3A_199, %rem3A : i32
      %add3A_201 = arith.constant 1 : i32
      %add3A_202 = arith.addi %scan3A_191, %add3A_201 : i32
      %jit3A_203 = arith.constant 3 : i32
      %eq3A_204 = arith.constant 0 : i32
      %eq3A_205 = arith.cmpi eq, %jit3A_203, %eq3A_204 : i32
      %jit3A_206 = arith.constant 1 : i32
      %select_n3A_207 = arith.select %eq3A_205, %jit3A_206, %jit3A_203 : i32
      %rem3A_208 = arith.remsi %add3A_202, %select_n3A_207 : i32
      %ne3A_209 = arith.constant 0 : i32
      %ne3A_210 = arith.cmpi ne, %rem3A_208, %ne3A_209 : i32
      %lt3A_211 = arith.constant 0 : i32
      %lt3A_212 = arith.cmpi slt, %rem3A_208, %lt3A_211 : i32
      %lt3A_213 = arith.constant 0 : i32
      %lt3A_214 = arith.cmpi slt, %select_n3A_207, %lt3A_213 : i32
      %ne3A_215 = arith.xori %lt3A_212, %lt3A_214 : i1
      %and3A_216 = arith.andi %ne3A_215, %ne3A_210 : i1
      %add3A_217 = arith.addi %rem3A_208, %select_n3A_207 : i32
      %select_n3A_218 = arith.select %and3A_216, %add3A_217, %rem3A_208 : i32
      %add3A_219 = arith.constant 2 : i32
      %add3A_220 = arith.addi %scan3A_191, %add3A_219 : i32
      %jit3A_221 = arith.constant 3 : i32
      %eq3A_222 = arith.constant 0 : i32
      %eq3A_223 = arith.cmpi eq, %jit3A_221, %eq3A_222 : i32
      %jit3A_224 = arith.constant 1 : i32
      %select_n3A_225 = arith.select %eq3A_223, %jit3A_224, %jit3A_221 : i32
      %rem3A_226 = arith.remsi %add3A_220, %select_n3A_225 : i32
      %ne3A_227 = arith.constant 0 : i32
      %ne3A_228 = arith.cmpi ne, %rem3A_226, %ne3A_227 : i32
      %lt3A_229 = arith.constant 0 : i32
      %lt3A_230 = arith.cmpi slt, %rem3A_226, %lt3A_229 : i32
      %lt3A_231 = arith.constant 0 : i32
      %lt3A_232 = arith.cmpi slt, %select_n3A_225, %lt3A_231 : i32
      %ne3A_233 = arith.xori %lt3A_230, %lt3A_232 : i1
      %and3A_234 = arith.andi %ne3A_233, %ne3A_228 : i1
      %add3A_235 = arith.addi %rem3A_226, %select_n3A_225 : i32
      %select_n3A_236 = arith.select %and3A_234, %add3A_235, %rem3A_226 : i32
      %dma_wait3A_237 = arith.constant 0 : i32
      %dma_wait3A_238 = arith.constant 0 : i32
      %dma_wait3A_239 = tpu.memref_slice %arg7[%select_n3A_200, %dma_wait3A_237, %dma_wait3A_238] : memref<3x400x16xf32, #tpu.memory_space<vmem>> -> memref<1x400x16xf32, #tpu.memory_space<vmem>>
      %dma_wait3A_240 = tpu.memref_squeeze %dma_wait3A_239 : memref<1x400x16xf32, #tpu.memory_space<vmem>> -> memref<400x16xf32, #tpu.memory_space<vmem>>
      %dma_wait3A_241 = arith.constant 0 : i32
      %dma_wait3A_242 = tpu.memref_slice %arg5[%select_n3A_200, %dma_wait3A_241] : memref<3x400xi32, #tpu.memory_space<vmem>> -> memref<1x400xi32, #tpu.memory_space<vmem>>
      %dma_wait3A_243 = tpu.memref_squeeze %dma_wait3A_242 : memref<1x400xi32, #tpu.memory_space<vmem>> -> memref<400xi32, #tpu.memory_space<vmem>>
      %dma_wait3A_244 = arith.constant 0 : i32
      %dma_wait3A_245 = arith.constant 0 : i32
      %dma_wait3A_246 = tpu.memref_slice %arg2[%dma_wait3A_244, %dma_wait3A_245] : memref<100000x16xf32, #tpu.memory_space<hbm>> -> memref<100000x16xf32, #tpu.memory_space<hbm>>
      %dma_wait3A_247 = tpu.memref_slice %arg11[%select_n3A_200] : memref<3x!tpu.dma_semaphore, #tpu.memory_space<semaphore_mem>> -> memref<1x!tpu.dma_semaphore, #tpu.memory_space<semaphore_mem>>
      %dma_wait3A_248 = tpu.memref_squeeze %dma_wait3A_247 : memref<1x!tpu.dma_semaphore, #tpu.memory_space<semaphore_mem>> -> memref<!tpu.dma_semaphore, #tpu.memory_space<semaphore_mem>>
      tpu.wait_indirect_dma semaphore(%dma_wait3A_248 : memref<!tpu.dma_semaphore, #tpu.memory_space<semaphore_mem>>) src(%dma_wait3A_246 : memref<100000x16xf32, #tpu.memory_space<hbm>>) dst(%dma_wait3A_240 : memref<400x16xf32, #tpu.memory_space<vmem>>)
      %dma_start3A_249 = arith.constant 0 : i32
      %dma_start3A_250 = arith.constant 0 : i32
      %dma_start3A_251 = tpu.memref_slice %arg7[%select_n3A_200, %dma_start3A_249, %dma_start3A_250] : memref<3x400x16xf32, #tpu.memory_space<vmem>> -> memref<1x400x16xf32, #tpu.memory_space<vmem>>
      %dma_start3A_252 = tpu.memref_squeeze %dma_start3A_251 : memref<1x400x16xf32, #tpu.memory_space<vmem>> -> memref<400x16xf32, #tpu.memory_space<vmem>>
      %dma_start3A_253 = arith.constant 0 : i32
      %dma_start3A_254 = tpu.memref_slice %arg6[%select_n3A_200, %dma_start3A_253] : memref<3x400xi32, #tpu.memory_space<vmem>> -> memref<1x400xi32, #tpu.memory_space<vmem>>
      %dma_start3A_255 = tpu.memref_squeeze %dma_start3A_254 : memref<1x400xi32, #tpu.memory_space<vmem>> -> memref<400xi32, #tpu.memory_space<vmem>>
      %dma_start3A_256 = arith.constant 0 : i32
      %dma_start3A_257 = arith.constant 0 : i32
      %dma_start3A_258 = tpu.memref_slice %arg9[%dma_start3A_256, %dma_start3A_257] : memref<100096x16xf32, #tpu.memory_space<vmem_shared>> -> memref<100096x16xf32, #tpu.memory_space<vmem_shared>>
      %dma_start3A_259 = tpu.memref_slice %arg12[%select_n3A_200] : memref<3x!tpu.dma_semaphore, #tpu.memory_space<semaphore_mem>> -> memref<1x!tpu.dma_semaphore, #tpu.memory_space<semaphore_mem>>
      %dma_start3A_260 = tpu.memref_squeeze %dma_start3A_259 : memref<1x!tpu.dma_semaphore, #tpu.memory_space<semaphore_mem>> -> memref<!tpu.dma_semaphore, #tpu.memory_space<semaphore_mem>>
      tpu.enqueue_indirect_dma source(%dma_start3A_252 : memref<400x16xf32, #tpu.memory_space<vmem>>) target(%dma_start3A_258 : memref<100096x16xf32, #tpu.memory_space<vmem_shared>>) offsets(%dma_start3A_255 : memref<400xi32, #tpu.memory_space<vmem>>) semaphore(%dma_start3A_260 : memref<!tpu.dma_semaphore, #tpu.memory_space<semaphore_mem>>) {add = true}
      %ge3A = arith.constant 1 : i32
      %ge3A_261 = arith.cmpi sge, %scan3A_191, %ge3A : i32
      %convert_element_type3A = arith.extui %ge3A_261 : i1 to i32
      %cond3A = arith.constant 0 : i32
      %cond3A_262 = arith.cmpi ne, %convert_element_type3A, %cond3A : i32
      scf.if %cond3A_262 {
        %dma_wait3A_277 = arith.constant 0 : i32
        %dma_wait3A_278 = arith.constant 0 : i32
        %dma_wait3A_279 = tpu.memref_slice %arg7[%select_n3A_236, %dma_wait3A_277, %dma_wait3A_278] : memref<3x400x16xf32, #tpu.memory_space<vmem>> -> memref<1x400x16xf32, #tpu.memory_space<vmem>>
        %dma_wait3A_280 = tpu.memref_squeeze %dma_wait3A_279 : memref<1x400x16xf32, #tpu.memory_space<vmem>> -> memref<400x16xf32, #tpu.memory_space<vmem>>
        %dma_wait3A_281 = arith.constant 0 : i32
        %dma_wait3A_282 = tpu.memref_slice %arg6[%select_n3A_236, %dma_wait3A_281] : memref<3x400xi32, #tpu.memory_space<vmem>> -> memref<1x400xi32, #tpu.memory_space<vmem>>
        %dma_wait3A_283 = tpu.memref_squeeze %dma_wait3A_282 : memref<1x400xi32, #tpu.memory_space<vmem>> -> memref<400xi32, #tpu.memory_space<vmem>>
        %dma_wait3A_284 = arith.constant 0 : i32
        %dma_wait3A_285 = arith.constant 0 : i32
        %dma_wait3A_286 = tpu.memref_slice %arg9[%dma_wait3A_284, %dma_wait3A_285] : memref<100096x16xf32, #tpu.memory_space<vmem_shared>> -> memref<100096x16xf32, #tpu.memory_space<vmem_shared>>
        %dma_wait3A_287 = tpu.memref_slice %arg12[%select_n3A_236] : memref<3x!tpu.dma_semaphore, #tpu.memory_space<semaphore_mem>> -> memref<1x!tpu.dma_semaphore, #tpu.memory_space<semaphore_mem>>
        %dma_wait3A_288 = tpu.memref_squeeze %dma_wait3A_287 : memref<1x!tpu.dma_semaphore, #tpu.memory_space<semaphore_mem>> -> memref<!tpu.dma_semaphore, #tpu.memory_space<semaphore_mem>>
        tpu.wait_indirect_dma semaphore(%dma_wait3A_288 : memref<!tpu.dma_semaphore, #tpu.memory_space<semaphore_mem>>) src(%dma_wait3A_280 : memref<400x16xf32, #tpu.memory_space<vmem>>) dst(%dma_wait3A_286 : memref<100096x16xf32, #tpu.memory_space<vmem_shared>>)
      } else {
      }
      %add3A_263 = arith.constant 1 : i32
      %add3A_264 = arith.addi %scan3A_191, %add3A_263 : i32
      %lt3A_265 = arith.constant 250 : i32
      %lt3A_266 = arith.cmpi slt, %add3A_264, %lt3A_265 : i32
      %convert_element_type3A_267 = arith.extui %lt3A_266 : i1 to i32
      %cond3A_268 = arith.constant 0 : i32
      %cond3A_269 = arith.cmpi ne, %convert_element_type3A_267, %cond3A_268 : i32
      scf.if %cond3A_269 {
        %add3A_277 = arith.constant 1 : i32
        %add3A_278 = arith.addi %scan3A_191, %add3A_277 : i32
        %add3A_279 = arith.addi %mul3A_41, %add3A_278 : i32
        %add3A_280 = arith.addi %mul3A_41, %add3A_278 : i32
        %dma_wait3A_281 = arith.constant 0 : i32
        %dma_wait3A_282 = arith.constant 0 : i32
        %dma_wait3A_283 = tpu.memref_slice %arg5[%select_n3A_218, %dma_wait3A_282] : memref<3x400xi32, #tpu.memory_space<vmem>> -> memref<1x400xi32, #tpu.memory_space<vmem>>
        %dma_wait3A_284 = tpu.memref_squeeze %dma_wait3A_283 : memref<1x400xi32, #tpu.memory_space<vmem>> -> memref<400xi32, #tpu.memory_space<vmem>>
        %dma_wait3A_285 = arith.constant 0 : i32
        %dma_wait3A_286 = tpu.memref_slice %arg3[%dma_wait3A_281, %add3A_279, %dma_wait3A_285] : memref<2x8000x400xi32, #tpu.memory_space<hbm>> -> memref<1x1x400xi32, #tpu.memory_space<hbm>>
        %dma_wait3A_287 = tpu.memref_squeeze %dma_wait3A_286 : memref<1x1x400xi32, #tpu.memory_space<hbm>> -> memref<400xi32, #tpu.memory_space<hbm>>
        %dma_wait3A_288 = tpu.memref_slice %arg10[%select_n3A_218] : memref<3x!tpu.dma_semaphore, #tpu.memory_space<semaphore_mem>> -> memref<1x!tpu.dma_semaphore, #tpu.memory_space<semaphore_mem>>
        %dma_wait3A_289 = tpu.memref_squeeze %dma_wait3A_288 : memref<1x!tpu.dma_semaphore, #tpu.memory_space<semaphore_mem>> -> memref<!tpu.dma_semaphore, #tpu.memory_space<semaphore_mem>>
        %dma_wait3A_290 = arith.constant 0 : i32
        %dma_wait3A_291 = tpu.memref_slice %arg5[%select_n3A_218, %dma_wait3A_290] : memref<3x400xi32, #tpu.memory_space<vmem>> -> memref<1x400xi32, #tpu.memory_space<vmem>>
        %dma_wait3A_292 = tpu.memref_squeeze %dma_wait3A_291 : memref<1x400xi32, #tpu.memory_space<vmem>> -> memref<400xi32, #tpu.memory_space<vmem>>
        %dma_wait3A_293 = arith.constant 0 : i32
        %dma_wait3A_294 = tpu.memref_slice %arg3[%dma_wait3A_281, %add3A_279, %dma_wait3A_293] : memref<2x8000x400xi32, #tpu.memory_space<hbm>> -> memref<1x1x400xi32, #tpu.memory_space<hbm>>
        %dma_wait3A_295 = tpu.memref_squeeze %dma_wait3A_294 : memref<1x1x400xi32, #tpu.memory_space<hbm>> -> memref<400xi32, #tpu.memory_space<hbm>>
        tpu.wait_dma2 semaphore(%dma_wait3A_289 : memref<!tpu.dma_semaphore, #tpu.memory_space<semaphore_mem>>) src(%dma_wait3A_295 : memref<400xi32, #tpu.memory_space<hbm>>) dst(%dma_wait3A_292 : memref<400xi32, #tpu.memory_space<vmem>>)
        %dma_wait3A_296 = arith.constant 1 : i32
        %dma_wait3A_297 = arith.constant 0 : i32
        %dma_wait3A_298 = tpu.memref_slice %arg6[%select_n3A_218, %dma_wait3A_297] : memref<3x400xi32, #tpu.memory_space<vmem>> -> memref<1x400xi32, #tpu.memory_space<vmem>>
        %dma_wait3A_299 = tpu.memref_squeeze %dma_wait3A_298 : memref<1x400xi32, #tpu.memory_space<vmem>> -> memref<400xi32, #tpu.memory_space<vmem>>
        %dma_wait3A_300 = arith.constant 0 : i32
        %dma_wait3A_301 = tpu.memref_slice %arg3[%dma_wait3A_296, %add3A_280, %dma_wait3A_300] : memref<2x8000x400xi32, #tpu.memory_space<hbm>> -> memref<1x1x400xi32, #tpu.memory_space<hbm>>
        %dma_wait3A_302 = tpu.memref_squeeze %dma_wait3A_301 : memref<1x1x400xi32, #tpu.memory_space<hbm>> -> memref<400xi32, #tpu.memory_space<hbm>>
        %dma_wait3A_303 = tpu.memref_slice %arg10[%select_n3A_218] : memref<3x!tpu.dma_semaphore, #tpu.memory_space<semaphore_mem>> -> memref<1x!tpu.dma_semaphore, #tpu.memory_space<semaphore_mem>>
        %dma_wait3A_304 = tpu.memref_squeeze %dma_wait3A_303 : memref<1x!tpu.dma_semaphore, #tpu.memory_space<semaphore_mem>> -> memref<!tpu.dma_semaphore, #tpu.memory_space<semaphore_mem>>
        %dma_wait3A_305 = arith.constant 0 : i32
        %dma_wait3A_306 = tpu.memref_slice %arg6[%select_n3A_218, %dma_wait3A_305] : memref<3x400xi32, #tpu.memory_space<vmem>> -> memref<1x400xi32, #tpu.memory_space<vmem>>
        %dma_wait3A_307 = tpu.memref_squeeze %dma_wait3A_306 : memref<1x400xi32, #tpu.memory_space<vmem>> -> memref<400xi32, #tpu.memory_space<vmem>>
        %dma_wait3A_308 = arith.constant 0 : i32
        %dma_wait3A_309 = tpu.memref_slice %arg3[%dma_wait3A_296, %add3A_280, %dma_wait3A_308] : memref<2x8000x400xi32, #tpu.memory_space<hbm>> -> memref<1x1x400xi32, #tpu.memory_space<hbm>>
        %dma_wait3A_310 = tpu.memref_squeeze %dma_wait3A_309 : memref<1x1x400xi32, #tpu.memory_space<hbm>> -> memref<400xi32, #tpu.memory_space<hbm>>
        tpu.wait_dma2 semaphore(%dma_wait3A_304 : memref<!tpu.dma_semaphore, #tpu.memory_space<semaphore_mem>>) src(%dma_wait3A_310 : memref<400xi32, #tpu.memory_space<hbm>>) dst(%dma_wait3A_307 : memref<400xi32, #tpu.memory_space<vmem>>)
        %dma_start3A_311 = arith.constant 0 : i32
        %dma_start3A_312 = arith.constant 0 : i32
        %dma_start3A_313 = tpu.memref_slice %arg7[%select_n3A_218, %dma_start3A_311, %dma_start3A_312] : memref<3x400x16xf32, #tpu.memory_space<vmem>> -> memref<1x400x16xf32, #tpu.memory_space<vmem>>
        %dma_start3A_314 = tpu.memref_squeeze %dma_start3A_313 : memref<1x400x16xf32, #tpu.memory_space<vmem>> -> memref<400x16xf32, #tpu.memory_space<vmem>>
        %dma_start3A_315 = arith.constant 0 : i32
        %dma_start3A_316 = tpu.memref_slice %arg5[%select_n3A_218, %dma_start3A_315] : memref<3x400xi32, #tpu.memory_space<vmem>> -> memref<1x400xi32, #tpu.memory_space<vmem>>
        %dma_start3A_317 = tpu.memref_squeeze %dma_start3A_316 : memref<1x400xi32, #tpu.memory_space<vmem>> -> memref<400xi32, #tpu.memory_space<vmem>>
        %dma_start3A_318 = arith.constant 0 : i32
        %dma_start3A_319 = arith.constant 0 : i32
        %dma_start3A_320 = tpu.memref_slice %arg2[%dma_start3A_318, %dma_start3A_319] : memref<100000x16xf32, #tpu.memory_space<hbm>> -> memref<100000x16xf32, #tpu.memory_space<hbm>>
        %dma_start3A_321 = tpu.memref_slice %arg11[%select_n3A_218] : memref<3x!tpu.dma_semaphore, #tpu.memory_space<semaphore_mem>> -> memref<1x!tpu.dma_semaphore, #tpu.memory_space<semaphore_mem>>
        %dma_start3A_322 = tpu.memref_squeeze %dma_start3A_321 : memref<1x!tpu.dma_semaphore, #tpu.memory_space<semaphore_mem>> -> memref<!tpu.dma_semaphore, #tpu.memory_space<semaphore_mem>>
        tpu.enqueue_indirect_dma source(%dma_start3A_320 : memref<100000x16xf32, #tpu.memory_space<hbm>>) target(%dma_start3A_314 : memref<400x16xf32, #tpu.memory_space<vmem>>) offsets(%dma_start3A_317 : memref<400xi32, #tpu.memory_space<vmem>>) semaphore(%dma_start3A_322 : memref<!tpu.dma_semaphore, #tpu.memory_space<semaphore_mem>>)
      } else {
      }
      %add3A_270 = arith.constant 2 : i32
      %add3A_271 = arith.addi %scan3A_191, %add3A_270 : i32
      %lt3A_272 = arith.constant 250 : i32
      %lt3A_273 = arith.cmpi slt, %add3A_271, %lt3A_272 : i32
      %convert_element_type3A_274 = arith.extui %lt3A_273 : i1 to i32
      %cond3A_275 = arith.constant 0 : i32
      %cond3A_276 = arith.cmpi ne, %convert_element_type3A_274, %cond3A_275 : i32
      scf.if %cond3A_276 {
        %add3A_277 = arith.constant 2 : i32
        %add3A_278 = arith.addi %scan3A_191, %add3A_277 : i32
        %add3A_279 = arith.addi %mul3A_41, %add3A_278 : i32
        %add3A_280 = arith.addi %mul3A_41, %add3A_278 : i32
        %dma_start3A_281 = arith.constant 0 : i32
        %dma_start3A_282 = arith.constant 0 : i32
        %dma_start3A_283 = tpu.memref_slice %arg5[%select_n3A_236, %dma_start3A_282] : memref<3x400xi32, #tpu.memory_space<vmem>> -> memref<1x400xi32, #tpu.memory_space<vmem>>
        %dma_start3A_284 = tpu.memref_squeeze %dma_start3A_283 : memref<1x400xi32, #tpu.memory_space<vmem>> -> memref<400xi32, #tpu.memory_space<vmem>>
        %dma_start3A_285 = arith.constant 0 : i32
        %dma_start3A_286 = tpu.memref_slice %arg3[%dma_start3A_281, %add3A_279, %dma_start3A_285] : memref<2x8000x400xi32, #tpu.memory_space<hbm>> -> memref<1x1x400xi32, #tpu.memory_space<hbm>>
        %dma_start3A_287 = tpu.memref_squeeze %dma_start3A_286 : memref<1x1x400xi32, #tpu.memory_space<hbm>> -> memref<400xi32, #tpu.memory_space<hbm>>
        %dma_start3A_288 = tpu.memref_slice %arg10[%select_n3A_236] : memref<3x!tpu.dma_semaphore, #tpu.memory_space<semaphore_mem>> -> memref<1x!tpu.dma_semaphore, #tpu.memory_space<semaphore_mem>>
        %dma_start3A_289 = tpu.memref_squeeze %dma_start3A_288 : memref<1x!tpu.dma_semaphore, #tpu.memory_space<semaphore_mem>> -> memref<!tpu.dma_semaphore, #tpu.memory_space<semaphore_mem>>
        %dma_start3A_290 = arith.constant 0 : i32
        %dma_start3A_291 = tpu.memref_slice %arg5[%select_n3A_236, %dma_start3A_290] : memref<3x400xi32, #tpu.memory_space<vmem>> -> memref<1x400xi32, #tpu.memory_space<vmem>>
        %dma_start3A_292 = tpu.memref_squeeze %dma_start3A_291 : memref<1x400xi32, #tpu.memory_space<vmem>> -> memref<400xi32, #tpu.memory_space<vmem>>
        %dma_start3A_293 = arith.constant 0 : i32
        %dma_start3A_294 = tpu.memref_slice %arg3[%dma_start3A_281, %add3A_279, %dma_start3A_293] : memref<2x8000x400xi32, #tpu.memory_space<hbm>> -> memref<1x1x400xi32, #tpu.memory_space<hbm>>
        %dma_start3A_295 = tpu.memref_squeeze %dma_start3A_294 : memref<1x1x400xi32, #tpu.memory_space<hbm>> -> memref<400xi32, #tpu.memory_space<hbm>>
        tpu.enqueue_dma source(%dma_start3A_295 : memref<400xi32, #tpu.memory_space<hbm>>) target(%dma_start3A_292 : memref<400xi32, #tpu.memory_space<vmem>>) target_semaphore(%dma_start3A_289 : memref<!tpu.dma_semaphore, #tpu.memory_space<semaphore_mem>>)
        %dma_start3A_296 = arith.constant 1 : i32
        %dma_start3A_297 = arith.constant 0 : i32
        %dma_start3A_298 = tpu.memref_slice %arg6[%select_n3A_236, %dma_start3A_297] : memref<3x400xi32, #tpu.memory_space<vmem>> -> memref<1x400xi32, #tpu.memory_space<vmem>>
        %dma_start3A_299 = tpu.memref_squeeze %dma_start3A_298 : memref<1x400xi32, #tpu.memory_space<vmem>> -> memref<400xi32, #tpu.memory_space<vmem>>
        %dma_start3A_300 = arith.constant 0 : i32
        %dma_start3A_301 = tpu.memref_slice %arg3[%dma_start3A_296, %add3A_280, %dma_start3A_300] : memref<2x8000x400xi32, #tpu.memory_space<hbm>> -> memref<1x1x400xi32, #tpu.memory_space<hbm>>
        %dma_start3A_302 = tpu.memref_squeeze %dma_start3A_301 : memref<1x1x400xi32, #tpu.memory_space<hbm>> -> memref<400xi32, #tpu.memory_space<hbm>>
        %dma_start3A_303 = tpu.memref_slice %arg10[%select_n3A_236] : memref<3x!tpu.dma_semaphore, #tpu.memory_space<semaphore_mem>> -> memref<1x!tpu.dma_semaphore, #tpu.memory_space<semaphore_mem>>
        %dma_start3A_304 = tpu.memref_squeeze %dma_start3A_303 : memref<1x!tpu.dma_semaphore, #tpu.memory_space<semaphore_mem>> -> memref<!tpu.dma_semaphore, #tpu.memory_space<semaphore_mem>>
        %dma_start3A_305 = arith.constant 0 : i32
        %dma_start3A_306 = tpu.memref_slice %arg6[%select_n3A_236, %dma_start3A_305] : memref<3x400xi32, #tpu.memory_space<vmem>> -> memref<1x400xi32, #tpu.memory_space<vmem>>
        %dma_start3A_307 = tpu.memref_squeeze %dma_start3A_306 : memref<1x400xi32, #tpu.memory_space<vmem>> -> memref<400xi32, #tpu.memory_space<vmem>>
        %dma_start3A_308 = arith.constant 0 : i32
        %dma_start3A_309 = tpu.memref_slice %arg3[%dma_start3A_296, %add3A_280, %dma_start3A_308] : memref<2x8000x400xi32, #tpu.memory_space<hbm>> -> memref<1x1x400xi32, #tpu.memory_space<hbm>>
        %dma_start3A_310 = tpu.memref_squeeze %dma_start3A_309 : memref<1x1x400xi32, #tpu.memory_space<hbm>> -> memref<400xi32, #tpu.memory_space<hbm>>
        tpu.enqueue_dma source(%dma_start3A_310 : memref<400xi32, #tpu.memory_space<hbm>>) target(%dma_start3A_307 : memref<400xi32, #tpu.memory_space<vmem>>) target_semaphore(%dma_start3A_304 : memref<!tpu.dma_semaphore, #tpu.memory_space<semaphore_mem>>)
      } else {
      }
    }
    %scan3A_174 = arith.constant 250 : i32
    %dma_wait3A_175 = arith.constant 0 : i32
    %dma_wait3A_176 = arith.constant 0 : i32
    %dma_wait3A_177 = arith.constant 0 : i32
    %dma_wait3A_178 = arith.constant 0 : i32
    %dma_wait3A_179 = arith.constant 0 : i32
    %dma_wait3A_180 = tpu.memref_slice %arg7[%dma_wait3A_175, %dma_wait3A_178, %dma_wait3A_179] : memref<3x400x16xf32, #tpu.memory_space<vmem>> -> memref<1x400x16xf32, #tpu.memory_space<vmem>>
    %dma_wait3A_181 = tpu.memref_squeeze %dma_wait3A_180 : memref<1x400x16xf32, #tpu.memory_space<vmem>> -> memref<400x16xf32, #tpu.memory_space<vmem>>
    %dma_wait3A_182 = arith.constant 0 : i32
    %dma_wait3A_183 = tpu.memref_slice %arg6[%dma_wait3A_176, %dma_wait3A_182] : memref<3x400xi32, #tpu.memory_space<vmem>> -> memref<1x400xi32, #tpu.memory_space<vmem>>
    %dma_wait3A_184 = tpu.memref_squeeze %dma_wait3A_183 : memref<1x400xi32, #tpu.memory_space<vmem>> -> memref<400xi32, #tpu.memory_space<vmem>>
    %dma_wait3A_185 = arith.constant 0 : i32
    %dma_wait3A_186 = arith.constant 0 : i32
    %dma_wait3A_187 = tpu.memref_slice %arg9[%dma_wait3A_185, %dma_wait3A_186] : memref<100096x16xf32, #tpu.memory_space<vmem_shared>> -> memref<100096x16xf32, #tpu.memory_space<vmem_shared>>
    %dma_wait3A_188 = tpu.memref_slice %arg12[%dma_wait3A_177] : memref<3x!tpu.dma_semaphore, #tpu.memory_space<semaphore_mem>> -> memref<1x!tpu.dma_semaphore, #tpu.memory_space<semaphore_mem>>
    %dma_wait3A_189 = tpu.memref_squeeze %dma_wait3A_188 : memref<1x!tpu.dma_semaphore, #tpu.memory_space<semaphore_mem>> -> memref<!tpu.dma_semaphore, #tpu.memory_space<semaphore_mem>>
    tpu.wait_indirect_dma semaphore(%dma_wait3A_189 : memref<!tpu.dma_semaphore, #tpu.memory_space<semaphore_mem>>) src(%dma_wait3A_181 : memref<400x16xf32, #tpu.memory_space<vmem>>) dst(%dma_wait3A_187 : memref<100096x16xf32, #tpu.memory_space<vmem_shared>>)
    %barrier3A_190 = arith.constant 0 : index
    tpu.barrier barrier_id(%barrier3A_190)
    "tpu.region"() ({
      %run_scoped3A = tpu.sem_alloc : memref<!tpu.dma_semaphore, #tpu.memory_space<semaphore_mem>>
      %dma_start3A_191 = arith.constant 0 : i32
      %dma_start3A_192 = arith.constant 0 : i32
      %dma_start3A_193 = tpu.memref_slice %arg4[%arg0, %arg1, %dma_start3A_191, %dma_start3A_192] : memref<2x16x6256x16xf32, #tpu.memory_space<hbm>> -> memref<1x1x6256x16xf32, #tpu.memory_space<hbm>>
      %dma_start3A_194 = tpu.memref_squeeze %dma_start3A_193 : memref<1x1x6256x16xf32, #tpu.memory_space<hbm>> -> memref<6256x16xf32, #tpu.memory_space<hbm>>
      %dma_start3A_195 = arith.constant 0 : i32
      %dma_start3A_196 = tpu.memref_slice %arg9[%mul3A_7, %dma_start3A_195] : memref<100096x16xf32, #tpu.memory_space<vmem_shared>> -> memref<6256x16xf32, #tpu.memory_space<vmem_shared>>
      tpu.enqueue_dma source(%dma_start3A_196 : memref<6256x16xf32, #tpu.memory_space<vmem_shared>>) target(%dma_start3A_194 : memref<6256x16xf32, #tpu.memory_space<hbm>>) target_semaphore(%run_scoped3A : memref<!tpu.dma_semaphore, #tpu.memory_space<semaphore_mem>>)
      %dma_wait3A_197 = arith.constant 0 : i32
      %dma_wait3A_198 = arith.constant 0 : i32
      %dma_wait3A_199 = tpu.memref_slice %arg4[%arg0, %arg1, %dma_wait3A_197, %dma_wait3A_198] : memref<2x16x6256x16xf32, #tpu.memory_space<hbm>> -> memref<1x1x6256x16xf32, #tpu.memory_space<hbm>>
      %dma_wait3A_200 = tpu.memref_squeeze %dma_wait3A_199 : memref<1x1x6256x16xf32, #tpu.memory_space<hbm>> -> memref<6256x16xf32, #tpu.memory_space<hbm>>
      %dma_wait3A_201 = arith.constant 0 : i32
      %dma_wait3A_202 = tpu.memref_slice %arg9[%mul3A_7, %dma_wait3A_201] : memref<100096x16xf32, #tpu.memory_space<vmem_shared>> -> memref<6256x16xf32, #tpu.memory_space<vmem_shared>>
      tpu.wait_dma2 semaphore(%run_scoped3A : memref<!tpu.dma_semaphore, #tpu.memory_space<semaphore_mem>>) src(%dma_wait3A_202 : memref<6256x16xf32, #tpu.memory_space<vmem_shared>>) dst(%dma_wait3A_200 : memref<6256x16xf32, #tpu.memory_space<hbm>>)
      tpu.yield
    }) : () -> ()
    return
  }
}

module attributes {stable_mosaic.version = 14 : i64} {
  func.func @_tc_body(%arg0: i32, %arg1: i32, %arg2: memref<256x128xf32, #tpu.memory_space<vmem>>, %arg3: memref<1x256x128xf32, #tpu.memory_space<vmem>>, %arg4: memref<1x256x128xf32, #tpu.memory_space<vmem>>, %arg5: memref<1x128x1024xf32, #tpu.memory_space<vmem>>, %arg6: memref<128x8xf32, #tpu.memory_space<vmem>>, %arg7: memref<8x128xf32, #tpu.memory_space<vmem>>, %arg8: memref<128x128xf32, #tpu.memory_space<vmem>>, %arg9: memref<1x128xf32, #tpu.memory_space<vmem>>, %arg10: memref<1x256x8x128xf32, #tpu.memory_space<vmem>>) attributes {dimension_semantics = [#tpu.dimension_semantics<arbitrary>, #tpu.dimension_semantics<arbitrary>], iteration_bounds = array<i64: 2, 49>, scalar_prefetch = 0 : i64, scratch_operands = 0 : i64, tpu.core_type = #tpu.core_type<tc>, window_params = [{transform_indices = @transform_0, window_bounds = array<i64: 256, 128>}, {transform_indices = @transform_1, window_bounds = array<i64: 1, 256, 128>}, {transform_indices = @transform_2, window_bounds = array<i64: 1, 256, 128>}, {transform_indices = @transform_3, window_bounds = array<i64: 1, 128, 1024>}, {pipeline_mode = #tpu.pipeline_mode<synchronous>, transform_indices = @transform_4, window_bounds = array<i64: 128, 8>}, {pipeline_mode = #tpu.pipeline_mode<synchronous>, transform_indices = @transform_5, window_bounds = array<i64: 8, 128>}, {pipeline_mode = #tpu.pipeline_mode<synchronous>, transform_indices = @transform_6, window_bounds = array<i64: 128, 128>}, {pipeline_mode = #tpu.pipeline_mode<synchronous>, transform_indices = @transform_7, window_bounds = array<i64: 1, 128>}, {transform_indices = @transform_8, window_bounds = array<i64: 1, 256, 8, 128>}]} {
    %get3A = arith.constant 0 : index
    %get3A_0 = arith.constant 0 : index
    %get3A_1 = arith.constant 0 : index
    %get3A_2 = vector.load %arg3[%get3A, %get3A_0, %get3A_1] : memref<1x256x128xf32, #tpu.memory_space<vmem>>, vector<1x256x128xf32>
    %get3A_3 = vector.shape_cast %get3A_2 : vector<1x256x128xf32> to vector<256x128xf32>
    %get3A_4 = arith.constant 0 : index
    %get3A_5 = arith.constant 0 : index
    %get3A_6 = arith.constant 0 : index
    %get3A_7 = vector.load %arg4[%get3A_4, %get3A_5, %get3A_6] : memref<1x256x128xf32, #tpu.memory_space<vmem>>, vector<1x256x128xf32>
    %get3A_8 = vector.shape_cast %get3A_7 : vector<1x256x128xf32> to vector<256x128xf32>
    %add3A = arith.addf %get3A_3, %get3A_8 : vector<256x128xf32>
    %get3A_9 = arith.constant 0 : index
    %get3A_10 = arith.constant 0 : index
    %get3A_11 = vector.load %arg6[%get3A_9, %get3A_10] : memref<128x8xf32, #tpu.memory_space<vmem>>, vector<128x8xf32>
    %dot_general3A = arith.constant dense<0.000000e+00> : vector<256x8xf32>
    %dot_general3A_12 = tpu.matmul %add3A, %get3A_11, %dot_general3A {dimension_numbers = #tpu.dot_dimension_numbers<[1], [0], [0], [1], [0, 0, 1, 1], [], []>, transpose_lhs_hint = false} : vector<256x128xf32>, vector<128x8xf32>, vector<256x8xf32> -> vector<256x8xf32>
    %max3A = arith.constant 1.000000e+00 : f32
    %max3A_13 = vector.broadcast %max3A : f32 to vector<256x8xf32>
    %max3A_14 = arith.maximumf %dot_general3A_12, %max3A_13 : vector<256x8xf32>
    %div3A = arith.constant 1.000000e+00 : f32
    %div3A_15 = vector.broadcast %div3A : f32 to vector<256x8xf32>
    %div3A_16 = arith.divf %div3A_15, %max3A_14 : vector<256x8xf32>
    %get3A_17 = arith.constant 0 : index
    %get3A_18 = arith.constant 0 : index
    %get3A_19 = vector.load %arg7[%get3A_17, %get3A_18] : memref<8x128xf32, #tpu.memory_space<vmem>>, vector<8x128xf32>
    %dot_general3A_20 = arith.constant dense<0.000000e+00> : vector<256x128xf32>
    %dot_general3A_21 = tpu.matmul %div3A_16, %get3A_19, %dot_general3A_20 {dimension_numbers = #tpu.dot_dimension_numbers<[1], [0], [0], [1], [0, 0, 1, 1], [], []>, transpose_lhs_hint = false} : vector<256x8xf32>, vector<8x128xf32>, vector<256x128xf32> -> vector<256x128xf32>
    %get3A_22 = arith.constant 0 : index
    %get3A_23 = arith.constant 0 : index
    %get3A_24 = vector.load %arg2[%get3A_22, %get3A_23] : memref<256x128xf32, #tpu.memory_space<vmem>>, vector<256x128xf32>
    %mul3A = arith.mulf %add3A, %dot_general3A_21 : vector<256x128xf32>
    %add3A_25 = arith.addf %get3A_24, %mul3A : vector<256x128xf32>
    %get3A_26 = arith.constant 0 : index
    %get3A_27 = arith.constant 0 : index
    %get3A_28 = arith.constant 0 : index
    %get3A_29 = vector.load %arg5[%get3A_26, %get3A_27, %get3A_28] : memref<1x128x1024xf32, #tpu.memory_space<vmem>>, vector<1x128x1024xf32>
    %get3A_30 = vector.shape_cast %get3A_29 : vector<1x128x1024xf32> to vector<128x1024xf32>
    %dot_general3A_31 = arith.constant dense<0.000000e+00> : vector<256x1024xf32>
    %dot_general3A_32 = tpu.matmul %add3A_25, %get3A_30, %dot_general3A_31 {dimension_numbers = #tpu.dot_dimension_numbers<[1], [0], [0], [1], [0, 0, 1, 1], [], []>, transpose_lhs_hint = false} : vector<256x128xf32>, vector<128x1024xf32>, vector<256x1024xf32> -> vector<256x1024xf32>
    %slice3A = vector.extract_strided_slice %dot_general3A_32 {offsets = [0, 0], sizes = [256, 128], strides = [1, 1]} : vector<256x1024xf32> to vector<256x128xf32>
    %get3A_33 = arith.constant 0 : index
    %get3A_34 = arith.constant 0 : index
    %get3A_35 = vector.load %arg8[%get3A_33, %get3A_34] : memref<128x128xf32, #tpu.memory_space<vmem>>, vector<128x128xf32>
    %dot_general3A_36 = arith.constant dense<0.000000e+00> : vector<256x128xf32>
    %dot_general3A_37 = tpu.matmul %slice3A, %get3A_35, %dot_general3A_36 {dimension_numbers = #tpu.dot_dimension_numbers<[1], [0], [0], [1], [0, 0, 1, 1], [], []>, transpose_lhs_hint = false} : vector<256x128xf32>, vector<128x128xf32>, vector<256x128xf32> -> vector<256x128xf32>
    %get3A_38 = arith.constant 0 : index
    %get3A_39 = arith.constant 0 : index
    %get3A_40 = vector.load %arg9[%get3A_38, %get3A_39] : memref<1x128xf32, #tpu.memory_space<vmem>>, vector<1x128xf32>
    %add3A_41 = vector.broadcast %get3A_40 : vector<1x128xf32> to vector<256x128xf32>
    %add3A_42 = arith.addf %dot_general3A_37, %add3A_41 : vector<256x128xf32>
    %max3A_43 = arith.constant 0.000000e+00 : f32
    %max3A_44 = vector.broadcast %max3A_43 : f32 to vector<256x128xf32>
    %max3A_45 = arith.maximumf %add3A_42, %max3A_44 : vector<256x128xf32>
    %swap3A = arith.constant 0 : index
    %swap3A_46 = arith.constant 0 : index
    %swap3A_47 = arith.constant 0 : index
    %swap3A_48 = arith.constant 0 : index
    %swap3A_49 = vector.load %arg10[%swap3A, %swap3A_46, %swap3A_47, %swap3A_48] : memref<1x256x8x128xf32, #tpu.memory_space<vmem>>, vector<1x256x1x128xf32>
    %swap3A_50 = vector.shape_cast %swap3A_49 : vector<1x256x1x128xf32> to vector<256x128xf32>
    %swap3A_51 = vector.shape_cast %max3A_45 : vector<256x128xf32> to vector<1x256x1x128xf32>
    tpu.vector_store %arg10[%swap3A, %swap3A_46, %swap3A_47, %swap3A_48], %swap3A_51 {strides = array<i32>} : memref<1x256x8x128xf32, #tpu.memory_space<vmem>>, vector<1x256x1x128xf32>,
    %slice3A_52 = vector.extract_strided_slice %dot_general3A_32 {offsets = [0, 128], sizes = [256, 128], strides = [1, 1]} : vector<256x1024xf32> to vector<256x128xf32>
    %get3A_53 = arith.constant 0 : index
    %get3A_54 = arith.constant 0 : index
    %get3A_55 = vector.load %arg8[%get3A_53, %get3A_54] : memref<128x128xf32, #tpu.memory_space<vmem>>, vector<128x128xf32>
    %dot_general3A_56 = arith.constant dense<0.000000e+00> : vector<256x128xf32>
    %dot_general3A_57 = tpu.matmul %slice3A_52, %get3A_55, %dot_general3A_56 {dimension_numbers = #tpu.dot_dimension_numbers<[1], [0], [0], [1], [0, 0, 1, 1], [], []>, transpose_lhs_hint = false} : vector<256x128xf32>, vector<128x128xf32>, vector<256x128xf32> -> vector<256x128xf32>
    %get3A_58 = arith.constant 0 : index
    %get3A_59 = arith.constant 0 : index
    %get3A_60 = vector.load %arg9[%get3A_58, %get3A_59] : memref<1x128xf32, #tpu.memory_space<vmem>>, vector<1x128xf32>
    %add3A_61 = vector.broadcast %get3A_60 : vector<1x128xf32> to vector<256x128xf32>
    %add3A_62 = arith.addf %dot_general3A_57, %add3A_61 : vector<256x128xf32>
    %max3A_63 = arith.constant 0.000000e+00 : f32
    %max3A_64 = vector.broadcast %max3A_63 : f32 to vector<256x128xf32>
    %max3A_65 = arith.maximumf %add3A_62, %max3A_64 : vector<256x128xf32>
    %swap3A_66 = arith.constant 0 : index
    %swap3A_67 = arith.constant 0 : index
    %swap3A_68 = arith.constant 1 : index
    %swap3A_69 = arith.constant 0 : index
    %swap3A_70 = vector.load %arg10[%swap3A_66, %swap3A_67, %swap3A_68, %swap3A_69] : memref<1x256x8x128xf32, #tpu.memory_space<vmem>>, vector<1x256x1x128xf32>
    %swap3A_71 = vector.shape_cast %swap3A_70 : vector<1x256x1x128xf32> to vector<256x128xf32>
    %swap3A_72 = vector.shape_cast %max3A_65 : vector<256x128xf32> to vector<1x256x1x128xf32>
    tpu.vector_store %arg10[%swap3A_66, %swap3A_67, %swap3A_68, %swap3A_69], %swap3A_72 {strides = array<i32>} : memref<1x256x8x128xf32, #tpu.memory_space<vmem>>, vector<1x256x1x128xf32>,
    %slice3A_73 = vector.extract_strided_slice %dot_general3A_32 {offsets = [0, 256], sizes = [256, 128], strides = [1, 1]} : vector<256x1024xf32> to vector<256x128xf32>
    %get3A_74 = arith.constant 0 : index
    %get3A_75 = arith.constant 0 : index
    %get3A_76 = vector.load %arg8[%get3A_74, %get3A_75] : memref<128x128xf32, #tpu.memory_space<vmem>>, vector<128x128xf32>
    %dot_general3A_77 = arith.constant dense<0.000000e+00> : vector<256x128xf32>
    %dot_general3A_78 = tpu.matmul %slice3A_73, %get3A_76, %dot_general3A_77 {dimension_numbers = #tpu.dot_dimension_numbers<[1], [0], [0], [1], [0, 0, 1, 1], [], []>, transpose_lhs_hint = false} : vector<256x128xf32>, vector<128x128xf32>, vector<256x128xf32> -> vector<256x128xf32>
    %get3A_79 = arith.constant 0 : index
    %get3A_80 = arith.constant 0 : index
    %get3A_81 = vector.load %arg9[%get3A_79, %get3A_80] : memref<1x128xf32, #tpu.memory_space<vmem>>, vector<1x128xf32>
    %add3A_82 = vector.broadcast %get3A_81 : vector<1x128xf32> to vector<256x128xf32>
    %add3A_83 = arith.addf %dot_general3A_78, %add3A_82 : vector<256x128xf32>
    %max3A_84 = arith.constant 0.000000e+00 : f32
    %max3A_85 = vector.broadcast %max3A_84 : f32 to vector<256x128xf32>
    %max3A_86 = arith.maximumf %add3A_83, %max3A_85 : vector<256x128xf32>
    %swap3A_87 = arith.constant 0 : index
    %swap3A_88 = arith.constant 0 : index
    %swap3A_89 = arith.constant 2 : index
    %swap3A_90 = arith.constant 0 : index
    %swap3A_91 = vector.load %arg10[%swap3A_87, %swap3A_88, %swap3A_89, %swap3A_90] : memref<1x256x8x128xf32, #tpu.memory_space<vmem>>, vector<1x256x1x128xf32>
    %swap3A_92 = vector.shape_cast %swap3A_91 : vector<1x256x1x128xf32> to vector<256x128xf32>
    %swap3A_93 = vector.shape_cast %max3A_86 : vector<256x128xf32> to vector<1x256x1x128xf32>
    tpu.vector_store %arg10[%swap3A_87, %swap3A_88, %swap3A_89, %swap3A_90], %swap3A_93 {strides = array<i32>} : memref<1x256x8x128xf32, #tpu.memory_space<vmem>>, vector<1x256x1x128xf32>,
    %slice3A_94 = vector.extract_strided_slice %dot_general3A_32 {offsets = [0, 384], sizes = [256, 128], strides = [1, 1]} : vector<256x1024xf32> to vector<256x128xf32>
    %get3A_95 = arith.constant 0 : index
    %get3A_96 = arith.constant 0 : index
    %get3A_97 = vector.load %arg8[%get3A_95, %get3A_96] : memref<128x128xf32, #tpu.memory_space<vmem>>, vector<128x128xf32>
    %dot_general3A_98 = arith.constant dense<0.000000e+00> : vector<256x128xf32>
    %dot_general3A_99 = tpu.matmul %slice3A_94, %get3A_97, %dot_general3A_98 {dimension_numbers = #tpu.dot_dimension_numbers<[1], [0], [0], [1], [0, 0, 1, 1], [], []>, transpose_lhs_hint = false} : vector<256x128xf32>, vector<128x128xf32>, vector<256x128xf32> -> vector<256x128xf32>
    %get3A_100 = arith.constant 0 : index
    %get3A_101 = arith.constant 0 : index
    %get3A_102 = vector.load %arg9[%get3A_100, %get3A_101] : memref<1x128xf32, #tpu.memory_space<vmem>>, vector<1x128xf32>
    %add3A_103 = vector.broadcast %get3A_102 : vector<1x128xf32> to vector<256x128xf32>
    %add3A_104 = arith.addf %dot_general3A_99, %add3A_103 : vector<256x128xf32>
    %max3A_105 = arith.constant 0.000000e+00 : f32
    %max3A_106 = vector.broadcast %max3A_105 : f32 to vector<256x128xf32>
    %max3A_107 = arith.maximumf %add3A_104, %max3A_106 : vector<256x128xf32>
    %swap3A_108 = arith.constant 0 : index
    %swap3A_109 = arith.constant 0 : index
    %swap3A_110 = arith.constant 3 : index
    %swap3A_111 = arith.constant 0 : index
    %swap3A_112 = vector.load %arg10[%swap3A_108, %swap3A_109, %swap3A_110, %swap3A_111] : memref<1x256x8x128xf32, #tpu.memory_space<vmem>>, vector<1x256x1x128xf32>
    %swap3A_113 = vector.shape_cast %swap3A_112 : vector<1x256x1x128xf32> to vector<256x128xf32>
    %swap3A_114 = vector.shape_cast %max3A_107 : vector<256x128xf32> to vector<1x256x1x128xf32>
    tpu.vector_store %arg10[%swap3A_108, %swap3A_109, %swap3A_110, %swap3A_111], %swap3A_114 {strides = array<i32>} : memref<1x256x8x128xf32, #tpu.memory_space<vmem>>, vector<1x256x1x128xf32>,
    %slice3A_115 = vector.extract_strided_slice %dot_general3A_32 {offsets = [0, 512], sizes = [256, 128], strides = [1, 1]} : vector<256x1024xf32> to vector<256x128xf32>
    %get3A_116 = arith.constant 0 : index
    %get3A_117 = arith.constant 0 : index
    %get3A_118 = vector.load %arg8[%get3A_116, %get3A_117] : memref<128x128xf32, #tpu.memory_space<vmem>>, vector<128x128xf32>
    %dot_general3A_119 = arith.constant dense<0.000000e+00> : vector<256x128xf32>
    %dot_general3A_120 = tpu.matmul %slice3A_115, %get3A_118, %dot_general3A_119 {dimension_numbers = #tpu.dot_dimension_numbers<[1], [0], [0], [1], [0, 0, 1, 1], [], []>, transpose_lhs_hint = false} : vector<256x128xf32>, vector<128x128xf32>, vector<256x128xf32> -> vector<256x128xf32>
    %get3A_121 = arith.constant 0 : index
    %get3A_122 = arith.constant 0 : index
    %get3A_123 = vector.load %arg9[%get3A_121, %get3A_122] : memref<1x128xf32, #tpu.memory_space<vmem>>, vector<1x128xf32>
    %add3A_124 = vector.broadcast %get3A_123 : vector<1x128xf32> to vector<256x128xf32>
    %add3A_125 = arith.addf %dot_general3A_120, %add3A_124 : vector<256x128xf32>
    %max3A_126 = arith.constant 0.000000e+00 : f32
    %max3A_127 = vector.broadcast %max3A_126 : f32 to vector<256x128xf32>
    %max3A_128 = arith.maximumf %add3A_125, %max3A_127 : vector<256x128xf32>
    %swap3A_129 = arith.constant 0 : index
    %swap3A_130 = arith.constant 0 : index
    %swap3A_131 = arith.constant 4 : index
    %swap3A_132 = arith.constant 0 : index
    %swap3A_133 = vector.load %arg10[%swap3A_129, %swap3A_130, %swap3A_131, %swap3A_132] : memref<1x256x8x128xf32, #tpu.memory_space<vmem>>, vector<1x256x1x128xf32>
    %swap3A_134 = vector.shape_cast %swap3A_133 : vector<1x256x1x128xf32> to vector<256x128xf32>
    %swap3A_135 = vector.shape_cast %max3A_128 : vector<256x128xf32> to vector<1x256x1x128xf32>
    tpu.vector_store %arg10[%swap3A_129, %swap3A_130, %swap3A_131, %swap3A_132], %swap3A_135 {strides = array<i32>} : memref<1x256x8x128xf32, #tpu.memory_space<vmem>>, vector<1x256x1x128xf32>,
    %slice3A_136 = vector.extract_strided_slice %dot_general3A_32 {offsets = [0, 640], sizes = [256, 128], strides = [1, 1]} : vector<256x1024xf32> to vector<256x128xf32>
    %get3A_137 = arith.constant 0 : index
    %get3A_138 = arith.constant 0 : index
    %get3A_139 = vector.load %arg8[%get3A_137, %get3A_138] : memref<128x128xf32, #tpu.memory_space<vmem>>, vector<128x128xf32>
    %dot_general3A_140 = arith.constant dense<0.000000e+00> : vector<256x128xf32>
    %dot_general3A_141 = tpu.matmul %slice3A_136, %get3A_139, %dot_general3A_140 {dimension_numbers = #tpu.dot_dimension_numbers<[1], [0], [0], [1], [0, 0, 1, 1], [], []>, transpose_lhs_hint = false} : vector<256x128xf32>, vector<128x128xf32>, vector<256x128xf32> -> vector<256x128xf32>
    %get3A_142 = arith.constant 0 : index
    %get3A_143 = arith.constant 0 : index
    %get3A_144 = vector.load %arg9[%get3A_142, %get3A_143] : memref<1x128xf32, #tpu.memory_space<vmem>>, vector<1x128xf32>
    %add3A_145 = vector.broadcast %get3A_144 : vector<1x128xf32> to vector<256x128xf32>
    %add3A_146 = arith.addf %dot_general3A_141, %add3A_145 : vector<256x128xf32>
    %max3A_147 = arith.constant 0.000000e+00 : f32
    %max3A_148 = vector.broadcast %max3A_147 : f32 to vector<256x128xf32>
    %max3A_149 = arith.maximumf %add3A_146, %max3A_148 : vector<256x128xf32>
    %swap3A_150 = arith.constant 0 : index
    %swap3A_151 = arith.constant 0 : index
    %swap3A_152 = arith.constant 5 : index
    %swap3A_153 = arith.constant 0 : index
    %swap3A_154 = vector.load %arg10[%swap3A_150, %swap3A_151, %swap3A_152, %swap3A_153] : memref<1x256x8x128xf32, #tpu.memory_space<vmem>>, vector<1x256x1x128xf32>
    %swap3A_155 = vector.shape_cast %swap3A_154 : vector<1x256x1x128xf32> to vector<256x128xf32>
    %swap3A_156 = vector.shape_cast %max3A_149 : vector<256x128xf32> to vector<1x256x1x128xf32>
    tpu.vector_store %arg10[%swap3A_150, %swap3A_151, %swap3A_152, %swap3A_153], %swap3A_156 {strides = array<i32>} : memref<1x256x8x128xf32, #tpu.memory_space<vmem>>, vector<1x256x1x128xf32>,
    %slice3A_157 = vector.extract_strided_slice %dot_general3A_32 {offsets = [0, 768], sizes = [256, 128], strides = [1, 1]} : vector<256x1024xf32> to vector<256x128xf32>
    %get3A_158 = arith.constant 0 : index
    %get3A_159 = arith.constant 0 : index
    %get3A_160 = vector.load %arg8[%get3A_158, %get3A_159] : memref<128x128xf32, #tpu.memory_space<vmem>>, vector<128x128xf32>
    %dot_general3A_161 = arith.constant dense<0.000000e+00> : vector<256x128xf32>
    %dot_general3A_162 = tpu.matmul %slice3A_157, %get3A_160, %dot_general3A_161 {dimension_numbers = #tpu.dot_dimension_numbers<[1], [0], [0], [1], [0, 0, 1, 1], [], []>, transpose_lhs_hint = false} : vector<256x128xf32>, vector<128x128xf32>, vector<256x128xf32> -> vector<256x128xf32>
    %get3A_163 = arith.constant 0 : index
    %get3A_164 = arith.constant 0 : index
    %get3A_165 = vector.load %arg9[%get3A_163, %get3A_164] : memref<1x128xf32, #tpu.memory_space<vmem>>, vector<1x128xf32>
    %add3A_166 = vector.broadcast %get3A_165 : vector<1x128xf32> to vector<256x128xf32>
    %add3A_167 = arith.addf %dot_general3A_162, %add3A_166 : vector<256x128xf32>
    %max3A_168 = arith.constant 0.000000e+00 : f32
    %max3A_169 = vector.broadcast %max3A_168 : f32 to vector<256x128xf32>
    %max3A_170 = arith.maximumf %add3A_167, %max3A_169 : vector<256x128xf32>
    %swap3A_171 = arith.constant 0 : index
    %swap3A_172 = arith.constant 0 : index
    %swap3A_173 = arith.constant 6 : index
    %swap3A_174 = arith.constant 0 : index
    %swap3A_175 = vector.load %arg10[%swap3A_171, %swap3A_172, %swap3A_173, %swap3A_174] : memref<1x256x8x128xf32, #tpu.memory_space<vmem>>, vector<1x256x1x128xf32>
    %swap3A_176 = vector.shape_cast %swap3A_175 : vector<1x256x1x128xf32> to vector<256x128xf32>
    %swap3A_177 = vector.shape_cast %max3A_170 : vector<256x128xf32> to vector<1x256x1x128xf32>
    tpu.vector_store %arg10[%swap3A_171, %swap3A_172, %swap3A_173, %swap3A_174], %swap3A_177 {strides = array<i32>} : memref<1x256x8x128xf32, #tpu.memory_space<vmem>>, vector<1x256x1x128xf32>,
    %slice3A_178 = vector.extract_strided_slice %dot_general3A_32 {offsets = [0, 896], sizes = [256, 128], strides = [1, 1]} : vector<256x1024xf32> to vector<256x128xf32>
    %get3A_179 = arith.constant 0 : index
    %get3A_180 = arith.constant 0 : index
    %get3A_181 = vector.load %arg8[%get3A_179, %get3A_180] : memref<128x128xf32, #tpu.memory_space<vmem>>, vector<128x128xf32>
    %dot_general3A_182 = arith.constant dense<0.000000e+00> : vector<256x128xf32>
    %dot_general3A_183 = tpu.matmul %slice3A_178, %get3A_181, %dot_general3A_182 {dimension_numbers = #tpu.dot_dimension_numbers<[1], [0], [0], [1], [0, 0, 1, 1], [], []>, transpose_lhs_hint = false} : vector<256x128xf32>, vector<128x128xf32>, vector<256x128xf32> -> vector<256x128xf32>
    %get3A_184 = arith.constant 0 : index
    %get3A_185 = arith.constant 0 : index
    %get3A_186 = vector.load %arg9[%get3A_184, %get3A_185] : memref<1x128xf32, #tpu.memory_space<vmem>>, vector<1x128xf32>
    %add3A_187 = vector.broadcast %get3A_186 : vector<1x128xf32> to vector<256x128xf32>
    %add3A_188 = arith.addf %dot_general3A_183, %add3A_187 : vector<256x128xf32>
    %max3A_189 = arith.constant 0.000000e+00 : f32
    %max3A_190 = vector.broadcast %max3A_189 : f32 to vector<256x128xf32>
    %max3A_191 = arith.maximumf %add3A_188, %max3A_190 : vector<256x128xf32>
    %swap3A_192 = arith.constant 0 : index
    %swap3A_193 = arith.constant 0 : index
    %swap3A_194 = arith.constant 7 : index
    %swap3A_195 = arith.constant 0 : index
    %swap3A_196 = vector.load %arg10[%swap3A_192, %swap3A_193, %swap3A_194, %swap3A_195] : memref<1x256x8x128xf32, #tpu.memory_space<vmem>>, vector<1x256x1x128xf32>
    %swap3A_197 = vector.shape_cast %swap3A_196 : vector<1x256x1x128xf32> to vector<256x128xf32>
    %swap3A_198 = vector.shape_cast %max3A_191 : vector<256x128xf32> to vector<1x256x1x128xf32>
    tpu.vector_store %arg10[%swap3A_192, %swap3A_193, %swap3A_194, %swap3A_195], %swap3A_198 {strides = array<i32>} : memref<1x256x8x128xf32, #tpu.memory_space<vmem>>, vector<1x256x1x128xf32>,
    return
  }
  func.func @transform_0(%arg0: i32, %arg1: i32) -> (i32, i32) {
    %c0_i32 = arith.constant 0 : i32
    %c0_i32_0 = arith.constant 0 : i32
    return %arg1, %c0_i32 : i32, i32
  }
  func.func @transform_1(%arg0: i32, %arg1: i32) -> (i32, i32, i32) {
    %c0_i32 = arith.constant 0 : i32
    %c0_i32_0 = arith.constant 0 : i32
    %c0_i32_1 = arith.constant 0 : i32
    return %c0_i32, %arg1, %c0_i32_0 : i32, i32, i32
  }
  func.func @transform_2(%arg0: i32, %arg1: i32) -> (i32, i32, i32) {
    %c1_i32 = arith.constant 1 : i32
    %c0_i32 = arith.constant 0 : i32
    %c0_i32_0 = arith.constant 0 : i32
    return %c1_i32, %arg1, %c0_i32 : i32, i32, i32
  }
  func.func @transform_3(%arg0: i32, %arg1: i32) -> (i32, i32, i32) {
    %c0_i32 = arith.constant 0 : i32
    %c0_i32_0 = arith.constant 0 : i32
    %c0_i32_1 = arith.constant 0 : i32
    return %arg0, %c0_i32, %c0_i32_0 : i32, i32, i32
  }
  func.func @transform_4(%arg0: i32, %arg1: i32) -> (i32, i32) {
    %c0_i32 = arith.constant 0 : i32
    %c0_i32_0 = arith.constant 0 : i32
    %c0_i32_1 = arith.constant 0 : i32
    return %c0_i32, %c0_i32_0 : i32, i32
  }
  func.func @transform_5(%arg0: i32, %arg1: i32) -> (i32, i32) {
    %c0_i32 = arith.constant 0 : i32
    %c0_i32_0 = arith.constant 0 : i32
    %c0_i32_1 = arith.constant 0 : i32
    return %c0_i32, %c0_i32_0 : i32, i32
  }
  func.func @transform_6(%arg0: i32, %arg1: i32) -> (i32, i32) {
    %c0_i32 = arith.constant 0 : i32
    %c0_i32_0 = arith.constant 0 : i32
    %c0_i32_1 = arith.constant 0 : i32
    return %c0_i32, %c0_i32_0 : i32, i32
  }
  func.func @transform_7(%arg0: i32, %arg1: i32) -> (i32, i32) {
    %c0_i32 = arith.constant 0 : i32
    %c0_i32_0 = arith.constant 0 : i32
    %c0_i32_1 = arith.constant 0 : i32
    return %c0_i32, %c0_i32_0 : i32, i32
  }
  func.func @transform_8(%arg0: i32, %arg1: i32) -> (i32, i32, i32, i32) {
    %c0_i32 = arith.constant 0 : i32
    %c0_i32_0 = arith.constant 0 : i32
    %c0_i32_1 = arith.constant 0 : i32
    return %arg0, %arg1, %c0_i32, %c0_i32_0 : i32, i32, i32, i32
  }
}

</mosaic_0001>

<sc_bundles>
// kernel: kernel.4.cloned.1.call-start
scs
__scs_entry_jumppad:
0x0: {  	(pc) =	sbr.rel $0x88, $3  }
0x1: {  	(tag) =	ssettag $0x0;
	lr =	simm.s32 $0x1  }
0x2: {  	[smem:$0x3F9B] =	sst lr;
	_ =	strace $0xD0000000  }
0x3: {  	_ = 	snop  }
0x4: {  	_ = 	snop  }
0x5: {  	_ = 	snop  }
0x6: {  	_ = 	snop  }
0x7: {  	_ = 	snop  }
__scs_overlays_trampoline_lowered:
0x8: {  	[smem:$0x3FAA] =	sst s0  }
0x9: {  	[smem:$0x3FAB] =	sst s1  }
0xa: {  	[smem:$0x3FAC] =	sst s2  }
0xb: {  	[smem:$0x3FAD] =	sst s3  }
0xc: {  	[smem:$0x3FAE] =	sst s4  }
0xd: {  	[smem:$0x3FAF] =	sst s5  }
0xe: {  	[smem:$0x3FB0] =	sst s6  }
0xf: {  	[smem:$0x3FB1] =	sst s7  }
0x10: {  	[smem:$0x3FB2] =	sst s8  }
0x11: {  	[smem:$0x3FB3] =	sst s9;
	s0 =	simm.s32 @!p0 $0x0  }
0x12: {  	s1 =	sld [smem:$0x3F99];
	s0 =	simm.s32 @p0 $0x1  }
0x13: {  	[smem:$0x3FB4] =	sst s0;
	s0 =	simm.s32 @!p1 $0x0  }
0x14: {  	s2 =	sld [smem:$0x3F98];
	s0 =	simm.s32 @p1 $0x1  }
0x15: {  	[smem:$0x3FB5] =	sst s0;
	s0 =	simm.s32 @!p2 $0x0  }
0x16: {  	s3 =	sld [smem:$0x3FDB];
	s0 =	simm.s32 @p2 $0x1  }
0x17: {  	s4 =	simm.s32 $0x1BF5;
	[smem:$0x3FB7] =	sst s0  }
0x18: {  	s0 =	sld [smem:$0x3F9A];
	_ =	swait.ge [sflag:s4], $0x0  }
0x19: {  	s7 =	sld [smem:$0x3F9B]  }
0x1a: {  	s8 =	sadd.s32 $0xFFFFE003, lr  }
0x1b: {  	s9 =	sadd.s32 $0xFFFFFEF7, lr;
	s5 =	simm.s32 $0xFFFFFFFF;
	p2 =	slt.u32 s8, $0xFFFFF086  }
0x1c: {  	p1 =	slt.u32 s9, $0xF7A;
	s5 =	simm.s32 @!p2 $0x0  }
0x1d: {  	s5 =	simm.s32 @p1 $0x1;
	p0 =	seq.s32 s7, s2  }
0x1e: {  	s7 =	smul.u32 @!p0 $0xF7A, s2;
	p2 =	seq.s32 @!p0 s5, $0x0  }
0x1f: {  	s9 =	smul.u32 $0xF7A, s1;
	s8 =	simm.s32 @!p0 $0x1BF5;
	p2 =	por !p2, p0  }
0x20: {  	[sflag:s8] =	ssyncset.s32 @!p0 $0xFFFFF086;
	s6 =	sadd.s32 @!p0 s3, s7;
	s7 =	simm.s32 @!p0 $0x108  }
0x21: {  	s3 =	sadd.s32 s3, s9;
	s6 =	sadd.s32 @!p0 $0x88, s6;
	s7 =	simm.s32 @p2 $0x1082  }
0x22: {  	[simem:s7], [sflag:s8] =	dma.local @!p0 [hbm:s6], $0xF7A  }
0x23: {  	s9 =	sor.u32 $0xD0000000, s2;
	s6 =	simm.s32 $0x108;
	_ =	swait.ge @!p0 [sflag:s8], $0x0  }
0x24: {  	s3 =	sadd.s32 $0x88, s3;
	s6 =	simm.s32 @!p1 $0x1082;
	[sflag:s4] =	ssyncset.s32 $0xFFFFF086  }
0x25: {  	[simem:s6], [sflag:s4] =	dma.local [hbm:s3], $0xF7A  }
0x26: {  	[smem:$0x3F9B] =	sst s1;
	(tag) =	ssettag s2;
	_ =	strace s9  }
0x27: {  	s1 =	sld [smem:$0x3FAB]  }
0x28: {  	s2 =	sld [smem:$0x3FAC]  }
0x29: {  	s4 =	sld [smem:$0x3FAE]  }
0x2a: {  	p0 =	seq.s32 s5, $0x0;
	s5 =	sld [smem:$0x3FAF]  }
0x2b: {  	s6 =	sld [smem:$0x3FB0]  }
0x2c: {  	s7 =	sld [smem:$0x3FB1]  }
0x2d: {  	s3 =	simm.s32 $0x108;
	s8 =	sld [smem:$0x3FB2]  }
0x2e: {  	s3 =	simm.s32 @!p0 $0x1082;
	s9 =	sld [smem:$0x3FB3]  }
0x2f: {  	lr =	sadd.s32 s0, s3;
	s0 =	sld [smem:$0x3FAA]  }
0x30: {  	s3 =	sld [smem:$0x3FAD]  }
0x31: {  	[smem:$0x3FB6] =	sst s10  }
0x32: {  	s10 =	sld [smem:$0x3FB4];
	_ =	sdelay $0x3  }
0x33: {  	p0 =	seq.s32 s10, $0x1;
	s10 =	sld [smem:$0x3FB6];
	_ =	sdelay $0x3  }
0x34: {  	[smem:$0x3FB6] =	sst s10  }
0x35: {  	s10 =	sld [smem:$0x3FB5];
	_ =	sdelay $0x3  }
0x36: {  	p1 =	seq.s32 s10, $0x1;
	s10 =	sld [smem:$0x3FB6];
	_ =	sdelay $0x3  }
0x37: {  	[smem:$0x3FB6] =	sst s10  }
0x38: {  	s10 =	sld [smem:$0x3FB7]  }
0x39: {  	_ = 	snop;
	(pc) =	sbr.ind lr, $3  }
0x3a: {  	_ = 	snop  }
0x3b: {  	_ = 	snop  }
0x3c: {  	p2 =	seq.s32 s10, $0x1;
	s10 =	sld [smem:$0x3FB6]  }
0x3d: {  	_ =	shalt  }
0x3e: {  	_ =	shalt  }
0x3f: {  	_ =	shalt  }
0x40: {  	_ =	shalt  }
0x41: {  	_ =	shalt  }
0x42: {  	_ =	shalt  }
0x43: {  	_ =	shalt  }
0x44: {  	_ =	shalt  }
0x45: {  	_ =	shalt  }
0x46: {  	_ =	shalt  }
0x47: {  	_ =	shalt  }
0x48: {  	_ =	shalt  }
0x49: {  	_ =	shalt  }
0x4a: {  	_ =	shalt  }
0x4b: {  	_ =	shalt  }
0x4c: {  	_ =	shalt  }
0x4d: {  	_ =	shalt  }
0x4e: {  	_ =	shalt  }
0x4f: {  	_ =	shalt  }
0x50: {  	_ =	shalt  }
0x51: {  	_ =	shalt  }
0x52: {  	_ =	shalt  }
0x53: {  	_ =	shalt  }
0x54: {  	_ =	shalt  }
0x55: {  	_ =	shalt  }
0x56: {  	_ =	shalt  }
0x57: {  	_ =	shalt  }
0x58: {  	_ =	shalt  }
0x59: {  	_ =	shalt  }
0x5a: {  	_ =	shalt  }
0x5b: {  	_ =	shalt  }
0x5c: {  	_ =	shalt  }
0x5d: {  	_ =	shalt  }
0x5e: {  	_ =	shalt  }
0x5f: {  	_ =	shalt  }
0x60: {  	_ =	shalt  }
0x61: {  	_ =	shalt  }
0x62: {  	_ =	shalt  }
0x63: {  	_ =	shalt  }
0x64: {  	_ =	shalt  }
0x65: {  	_ =	shalt  }
0x66: {  	_ =	shalt  }
0x67: {  	_ =	shalt  }
0x68: {  	_ =	shalt  }
0x69: {  	_ =	shalt  }
0x6a: {  	_ =	shalt  }
0x6b: {  	_ =	shalt  }
0x6c: {  	_ =	shalt  }
0x6d: {  	_ =	shalt  }
0x6e: {  	_ =	shalt  }
0x6f: {  	_ =	shalt  }
0x70: {  	_ =	shalt  }
0x71: {  	_ =	shalt  }
0x72: {  	_ =	shalt  }
0x73: {  	_ =	shalt  }
0x74: {  	_ =	shalt  }
0x75: {  	_ =	shalt  }
0x76: {  	_ =	shalt  }
0x77: {  	_ =	shalt  }
0x78: {  	_ =	shalt  }
0x79: {  	_ =	shalt  }
0x7a: {  	_ =	shalt  }
0x7b: {  	_ =	shalt  }
0x7c: {  	_ =	shalt  }
0x7d: {  	_ =	shalt  }
0x7e: {  	_ =	shalt  }
0x7f: {  	_ =	shalt  }
0x80: {  	_ =	shalt  }
0x81: {  	_ =	shalt  }
0x82: {  	_ =	shalt  }
0x83: {  	_ =	shalt  }
0x84: {  	_ =	shalt  }
0x85: {  	_ =	shalt  }
0x86: {  	_ =	shalt  }
0x87: {  	_ =	shalt  }
.Lfunc_end0:
.L_simem_size_0:
called_computation_lowered:
.L_overlay_start_0:
0x88: {  	s2 =	sld [smem:$0x3FD9]  }
0x89: {  	s3 =	sld [smem:$0x3FFE];
	_ =	sdelay $0x1  }
0x8a: {  	s1 =	srdreg.scid  }
0x8b: {  	s0 =	sand.u32 $0x1, s1  }
0x8c: {  	s16 =	sshll.u32 s0, $0xA;
	s2 =	sadd.s32 s3, s2  }
0x8d: {  	s2 =	sadd.s32 s2, s16  }
0x8e: {  	[smem:$0x3FC2] =	sst s2  }
0x8f: {  	_ = 	snop  }
0x90: {  	(tm) =	ssettm $0x1  }
0x91: {  	s17 =	sld [smem:$0x3FFB];
	_ =	sdelay $0x3  }
0x92: {  	_ =	strace s17  }
0x93: {  	s2 =	sld [smem:$0x3FFC];
	_ =	sdelay $0x3  }
0x94: {  	_ =	strace s2  }
0x95: {  	s2 =	sld [smem:$0x3FFD];
	_ =	sdelay $0x3  }
0x96: {  	_ =	strace s2  }
0x97: {  	_ =	strace $0x8FFFFFFF  }
0x98: {  	s18 =	sld [smem:$0x3FDB];
	_ =	sdelay $0x1  }
0x99: {  	s19 =	simm.s32 $_scs_section_size  }
0x9a: {  	s4 =	simm.s32 $_size__tile_overlayer_lowered;
	s5 =	simm.s32 $_tile_overlayer_lowered  }
0x9b: {  	s22 =	simm.s32 $0x1BFF;
	s21 =	sshll.u32 s5, $0x1;
	s2 =	sadd.s32 s19, s18  }
0x9c: {  	s6 =	simm.s32 $0x0;
	s20 =	sshll.u32 s4, $0x1;
	s4 =	sadd.s32 s21, s2  }
0x9d: {  	[timem:s6], [sflag:s22] =	dma.local [hbm:s4], s20  }
0x9e: {  	_ =	swait.ge [sflag:s22], s20  }
0x9f: {  	s3 =	ssub.s32 $0x0, s20;
	[sflag:s22] =	ssyncset.done $0x0  }
0xa0: {  	[sflag:s22] =	ssyncadd.s32 s3;
	_ =	sdelay $0x1  }
0xa1: {  	s23 =	simm.s32 $0x1B8B  }
0xa2: {  	_ =	swait.ge [sflag:s23], $0x1  }
0xa3: {  	[sflag:s23] =	ssyncset.done $0x0  }
0xa4: {  	s25 =	simm.s32 $0x1B8E;
	s24 =	sld [smem:$0x3FFE];
	[sflag:s23] =	ssyncadd.s32 $0xFFFFFFFF  }
0xa5: {  	s26 =	simm.s32 $execute0_lowered;
	[smem:$0x3FD2] =	sst s25  }
0xa6: {  	s4 =	sshll.u32 s26, $0x1;
	_ =	strace $0x80000046;
	[dreg:$0x1] =	wrdreg $0xFFFFFFFF  }
0xa7: {  	s28 =	simm.s32 $_size_execute0_lowered;
	s2 =	sadd.s32 s2, s4;
	[dreg:$0x0] =	wrdreg $0x0  }
0xa8: {  	s4 =	sshll.u32 s28, $0x1;
	[dreg:$0x2] =	wrdreg s2  }
0xa9: {  	[dreg:$0x3] =	wrdreg s4  }
0xaa: {  	[dreg:$0x4] =	wrdreg $0xC0  }
0xab: {  	_ =	task [dreg:s6], $0x5FFFF  }
0xac: {  	[dreg:$0x1] =	wrdreg $0xFFFFFFFF  }
0xad: {  	[dreg:$0x0] =	wrdreg $0x60  }
0xae: {  	[dreg:$0x2] =	wrdreg s24  }
0xaf: {  	[dreg:$0x3] =	wrdreg $0x6CD00  }
0xb0: {  	[dreg:$0x4] =	wrdreg $0x9  }
0xb1: {  	_ =	task.clear_ibuf [dreg:s6], $0x5FFFF;
	_ =	strace $0x90000046  }
0xb2: {  	s29 =	simm.s32 $0x9;
	_ =	strace $0x80000048  }
0xb3: {  	_ =	swait.ge [sflag:s29], $0x1  }
0xb4: {  	[sflag:s29] =	ssyncadd.s32 $0xFFFFFFFF  }
0xb5: {  	_ =	strace $0x90000048  }
0xb6: {  	_ =	sfence  }
0xb7: {  	s30 =	sld [smem:$0x0];
	_ =	sdelay $0x2  }
0xb8: {  	s31 =	sshll.u32 s1, $0xD;
	s1 =	sshrl.u32 s1, $0x2  }
0xb9: {  	s3 =	sand.u32 $0x4000, s31;
	s1 =	sadd.s32 s1, s30  }
0xba: {  	s0 =	sor.u32 s3, s0;
	s1 =	sshll.u32 s1, $0x11  }
0xbb: {  	s0 =	sor.u32 s1, s0  }
0xbc: {  	s0 =	sadd.s32 $0x8F2B, s0  }
0xbd: {  	[sflag:s0] =	ssyncadd.remote.s32 $0x1  }
0xbe: {  	_ =	sfence.sel $0xFFFF  }
0xbf: {  	[dreg:$0x0] =	wrdreg $0xFFFFFFFF;
	(pc) =	sbr.abs _section_cstart, $3  }
0xc0: {  	[dreg:$0x1] =	wrdreg $0xFFFFFFFF  }
0xc1: {  	_ =	task.clear_ibuf [dreg:s6], $0x2FFFF;
	_ =	strace $0x9FFFFFFF  }
0xc2: {  	(tm) =	ssettm $0x7FFFFFFF  }
0xc3: {  	_ =	shalt  }
tec
execute0_lowered:
.L_overlay_start_1:
0x0: {  	(tag) =	ssettag $0x1  }
0x1: {  	s1 =	srdreg.scid;
	s11 =	stileid.u32  }
0x2: {  	s0 =	rddreg [dreg:$0x0];
	s1 =	sand.u32 $0x1, s1;
	s5 =	smul.u32 $0x18700, s11  }
0x3: {  	s2 =	rddreg [dreg:$0x1];
	s4 =	smul.u32 $0x187000, s1  }
0x4: {  	s3 =	simm.s32 $0x0;
	s30 =	simm.s32 $0x5460;
	s6 =	smul.u32 $0x61C00, s11  }
0x5: {  	s31 =	simm.s32 $0xA;
	[smem:$0x7FF] =	sst s3;
	s5 =	sadd.s32 s5, s4  }
0x6: {  	s7 =	sadd.s32 $0x1A00, s0;
	s10 =	sshrl.u32 s6, $0x2;
	s5 =	sshrl.u32 s5, $0x3  }
0x7: {  	s4 =	sadd.s32 $0xC5000, s0;
	s0 =	sadd.s32 s5, s0;
	s5 =	sadd.s32 s10, s2  }
0x8: {  	s9 =	sshll.u32 s11, $0x1;
	s20 =	smul.u32 $0x30D40, s11;
	s14 =	sadd.s32 $0x1870, s5  }
0x9: {  	_ =	strace $0x80000047;
	s15 =	sadd.s32 $0x30E0, s5;
	[dreg:$0x3] =	wrdreg s14  }
0xa: {  	s8 =	ssub.s32 $0x2, s1;
	s16 =	sadd.s32 $0x4950, s5;
	[dreg:$0x4] =	wrdreg s15  }
0xb: {  	s13 =	sor.u32 s1, s9;
	s17 =	sadd.s32 $0x61C0, s5;
	[dreg:$0x5] =	wrdreg s16  }
0xc: {  	s22 =	smul.u32 $0x186A0, s1;
	s18 =	sadd.s32 $0x7A30, s5;
	[dreg:$0x6] =	wrdreg s17  }
0xd: {  	s1 =	smul.u32 $0x30D4, s1;
	s19 =	sadd.s32 $0x92A0, s5;
	[dreg:$0x7] =	wrdreg s18  }
0xe: {  	s12 =	sshrl.u32 s8, $0x1;
	s10 =	sadd.s32 $0xAB10, s5;
	[dreg:$0x8] =	wrdreg s19  }
0xf: {  	s6 =	ssub.s32 s8, s12;
	s21 =	sadd.s32 $0xC380, s5;
	[dreg:$0x9] =	wrdreg s10  }
0x10: {  	s8 =	smul.u32 $0x186A0, s13;
	s12 =	sadd.s32 $0xDBF0, s5;
	[dreg:$0xa] =	wrdreg s21  }
0x11: {  	s9 =	sadd.s32 s22, s20;
	s23 =	sadd.s32 $0xF460, s5;
	[dreg:$0xb] =	wrdreg s12  }
0x12: {  	s20 =	smul.u32 $0x61A8, s11;
	s24 =	sadd.s32 $0x10CD0, s5;
	[dreg:$0xc] =	wrdreg s23  }
0x13: {  	s9 =	sadd.s32 $0x30D720, s9;
	s25 =	sadd.s32 $0x12540, s5;
	[dreg:$0xd] =	wrdreg s24  }
0x14: {  	s8 =	sshrl.u32 s8, $0x3;
	s26 =	sadd.s32 $0x13DB0, s5;
	[dreg:$0xe] =	wrdreg s25  }
0x15: {  	s9 =	sshrl.u32 s9, $0x3;
	s22 =	sadd.s32 $0x16E90, s5;
	[dreg:$0xf] =	wrdreg s26  }
0x16: {  	s19 =	sadd.s32 s7, s8;
	s10 =	sadd.s32 s9, s7;
	s7 =	sadd.s32 s20, s7  }
0x17: {  	s21 =	sadd.s32 $0x15620, s5;
	s23 =	sadd.s32 $0xF5E00, s0;
	s24 =	smax.u32 s6, $0x1  }
0x18: {  	s0 =	simm.s32 $0x1;
	s6 =	simm.s32 $0x7;
	s1 =	sadd.s32 s1, s7  }
0x19: {  	s26 =	sadd.s32 $0x61A80, s19;
	s28 =	sadd.s32 $0x32, s19;
	s29 =	sadd.s32 $0x61AB2, s19  }
0x1a: {  	v0 =	vimm.f32 $0.0e+00;
	s7 =	simm.s32 $0x0;
	s9 =	sadd.s32 $0x64, s1;
	s1 =	simm.s32 $0x190  }
.LBB2_1:
0x1b: {  	s8 =	simm.s32 $0x40;
	s20 =	simm.s32 $0x0  }
.LBB2_2:
0x1c: {  	p0 =	sne.s32 s8, $0x6180;
	[tilespmem:s20+$0x5460] =	vst v0;
	s20 =	smov.u32 s8;
	s8 =	sadd.s32 $0x40, s8  }
.Ltmp0:
0x1d: {  	(pc) =	sbr.rel @p0 .LBB2_2-.Ltmp0, $2  }
0x1e: {  	_ =	sdelay $0x2  }
0x1f: {  	s20 =	sshra.s32 s20, $0x2  }
0x20: {  	[tilespmem:s20+$0x5460] =	vst v0  }
0x21: {  	[spmem:s5] =	stream.linear.scatter [tilespmem:s30], [sflag:$0xA], $0x1870, $0x38;
	[tilespmem:$0x1F3D0] =	vst v63  }
0x22: {  	_ =	swait.ge [sflag:s31], $0x1870  }
0x23: {  	[sflag:s31] =	ssyncset.done $0x0  }
0x24: {  	s8 =	rddreg [dreg:$0x3];
	[sflag:s31] =	ssyncadd.s32 $0xFFFFE790  }
0x25: {  	[spmem:s8] =	stream.linear.scatter [tilespmem:s30], [sflag:$0xA], $0x1870, $0x38;
	[tilespmem:$0x1F3D0] =	vst v63  }
0x26: {  	_ =	swait.ge [sflag:s31], $0x1870  }
0x27: {  	[sflag:s31] =	ssyncset.done $0x0  }
0x28: {  	s16 =	rddreg [dreg:$0x4];
	[sflag:s31] =	ssyncadd.s32 $0xFFFFE790  }
0x29: {  	[spmem:s16] =	stream.linear.scatter [tilespmem:s30], [sflag:$0xA], $0x1870, $0x38;
	[tilespmem:$0x1F3D0] =	vst v63  }
0x2a: {  	_ =	swait.ge [sflag:s31], $0x1870  }
0x2b: {  	[sflag:s31] =	ssyncset.done $0x0  }
0x2c: {  	s17 =	rddreg [dreg:$0x5];
	[sflag:s31] =	ssyncadd.s32 $0xFFFFE790  }
0x2d: {  	[spmem:s17] =	stream.linear.scatter [tilespmem:s30], [sflag:$0xA], $0x1870, $0x38;
	[tilespmem:$0x1F3D0] =	vst v63  }
0x2e: {  	_ =	swait.ge [sflag:s31], $0x1870  }
0x2f: {  	[sflag:s31] =	ssyncset.done $0x0  }
0x30: {  	s18 =	rddreg [dreg:$0x6];
	[sflag:s31] =	ssyncadd.s32 $0xFFFFE790  }
0x31: {  	[spmem:s18] =	stream.linear.scatter [tilespmem:s30], [sflag:$0xA], $0x1870, $0x38;
	[tilespmem:$0x1F3D0] =	vst v63  }
0x32: {  	_ =	swait.ge [sflag:s31], $0x1870  }
0x33: {  	[sflag:s31] =	ssyncset.done $0x0  }
0x34: {  	s20 =	rddreg [dreg:$0x7];
	[sflag:s31] =	ssyncadd.s32 $0xFFFFE790  }
0x35: {  	[spmem:s20] =	stream.linear.scatter [tilespmem:s30], [sflag:$0xA], $0x1870, $0x38;
	[tilespmem:$0x1F3D0] =	vst v63  }
0x36: {  	_ =	swait.ge [sflag:s31], $0x1870  }
0x37: {  	[sflag:s31] =	ssyncset.done $0x0  }
0x38: {  	s25 =	rddreg [dreg:$0x8];
	[sflag:s31] =	ssyncadd.s32 $0xFFFFE790  }
0x39: {  	[spmem:s25] =	stream.linear.scatter [tilespmem:s30], [sflag:$0xA], $0x1870, $0x38;
	[tilespmem:$0x1F3D0] =	vst v63  }
0x3a: {  	_ =	swait.ge [sflag:s31], $0x1870  }
0x3b: {  	[sflag:s31] =	ssyncset.done $0x0  }
0x3c: {  	s11 =	rddreg [dreg:$0x9];
	[sflag:s31] =	ssyncadd.s32 $0xFFFFE790  }
0x3d: {  	[spmem:s11] =	stream.linear.scatter [tilespmem:s30], [sflag:$0xA], $0x1870, $0x38;
	[tilespmem:$0x1F3D0] =	vst v63  }
0x3e: {  	_ =	swait.ge [sflag:s31], $0x1870  }
0x3f: {  	[sflag:s31] =	ssyncset.done $0x0  }
0x40: {  	s12 =	rddreg [dreg:$0xa];
	[sflag:s31] =	ssyncadd.s32 $0xFFFFE790  }
0x41: {  	[spmem:s12] =	stream.linear.scatter [tilespmem:s30], [sflag:$0xA], $0x1870, $0x38;
	[tilespmem:$0x1F3D0] =	vst v63  }
0x42: {  	_ =	swait.ge [sflag:s31], $0x1870  }
0x43: {  	[sflag:s31] =	ssyncset.done $0x0  }
0x44: {  	s13 =	rddreg [dreg:$0xb];
	[sflag:s31] =	ssyncadd.s32 $0xFFFFE790  }
0x45: {  	[spmem:s13] =	stream.linear.scatter [tilespmem:s30], [sflag:$0xA], $0x1870, $0x38;
	[tilespmem:$0x1F3D0] =	vst v63  }
0x46: {  	_ =	swait.ge [sflag:s31], $0x1870  }
0x47: {  	[sflag:s31] =	ssyncset.done $0x0  }
0x48: {  	s14 =	rddreg [dreg:$0xc];
	[sflag:s31] =	ssyncadd.s32 $0xFFFFE790  }
0x49: {  	[spmem:s14] =	stream.linear.scatter [tilespmem:s30], [sflag:$0xA], $0x1870, $0x38;
	[tilespmem:$0x1F3D0] =	vst v63  }
0x4a: {  	_ =	swait.ge [sflag:s31], $0x1870  }
0x4b: {  	[sflag:s31] =	ssyncset.done $0x0  }
0x4c: {  	s15 =	rddreg [dreg:$0xd];
	[sflag:s31] =	ssyncadd.s32 $0xFFFFE790  }
0x4d: {  	[spmem:s15] =	stream.linear.scatter [tilespmem:s30], [sflag:$0xA], $0x1870, $0x38;
	[tilespmem:$0x1F3D0] =	vst v63  }
0x4e: {  	_ =	swait.ge [sflag:s31], $0x1870  }
0x4f: {  	[sflag:s31] =	ssyncset.done $0x0  }
0x50: {  	s16 =	rddreg [dreg:$0xe];
	[sflag:s31] =	ssyncadd.s32 $0xFFFFE790  }
0x51: {  	[spmem:s16] =	stream.linear.scatter [tilespmem:s30], [sflag:$0xA], $0x1870, $0x38;
	[tilespmem:$0x1F3D0] =	vst v63  }
0x52: {  	_ =	swait.ge [sflag:s31], $0x1870  }
0x53: {  	[sflag:s31] =	ssyncset.done $0x0  }
0x54: {  	s17 =	rddreg [dreg:$0xf];
	[sflag:s31] =	ssyncadd.s32 $0xFFFFE790  }
0x55: {  	[spmem:s17] =	stream.linear.scatter [tilespmem:s30], [sflag:$0xA], $0x1870, $0x38;
	[tilespmem:$0x1F3D0] =	vst v63  }
0x56: {  	_ =	swait.ge [sflag:s31], $0x1870  }
0x57: {  	[sflag:s31] =	ssyncset.done $0x0  }
0x58: {  	[sflag:s31] =	ssyncadd.s32 $0xFFFFE790  }
0x59: {  	[spmem:s21] =	stream.linear.scatter [tilespmem:s30], [sflag:$0xA], $0x1870, $0x38;
	[tilespmem:$0x1F3D0] =	vst v63  }
0x5a: {  	_ =	swait.ge [sflag:s31], $0x1870  }
0x5b: {  	[sflag:s31] =	ssyncset.done $0x0  }
0x5c: {  	[sflag:s31] =	ssyncadd.s32 $0xFFFFE790  }
0x5d: {  	[spmem:s22] =	stream.linear.scatter [tilespmem:s30], [sflag:$0xA], $0x1870, $0x38;
	[tilespmem:$0x1F3D0] =	vst v63  }
0x5e: {  	_ =	swait.ge [sflag:s31], $0x1870  }
0x5f: {  	[sflag:s31] =	ssyncset.done $0x0  }
0x60: {  	[sflag:s31] =	ssyncadd.s32 $0xFFFFE790  }
0x61: {  	[bflag:$0x0] =	sbarrier.arrive $0xFFFF  }
0x62: {  	[tilespmem:s3], [sflag:$0x1] =	stream.linear.gather [hbm4b:s19+s3], $0x190, $0x38;
	[tilespmem:$0x1F3D0] =	vst v63  }
0x63: {  	s18 =	simm.s32 $0x4B0  }
0x64: {  	[tilespmem:s18], [sflag:$0x1] =	stream.linear.gather [hbm4b:s26+s3], $0x190, $0x38;
	[tilespmem:$0x1F3D0] =	vst v63  }
0x65: {  	_ = 	snop  }
0x66: {  	[tilespmem:s1], [sflag:$0x2] =	stream.linear.gather [hbm4b:s28+s3], $0x190, $0x38;
	[tilespmem:$0x1F3D0] =	vst v63  }
0x67: {  	s20 =	simm.s32 $0x640  }
0x68: {  	[tilespmem:s20], [sflag:$0x2] =	stream.linear.gather [hbm4b:s29+s3], $0x190, $0x38;
	[tilespmem:$0x1F3D0] =	vst v63  }
0x69: {  	_ =	swait.ge [sflag:s0], $0x190  }
0x6a: {  	[sflag:s0] =	ssyncset.done $0x0  }
0x6b: {  	[sflag:s0] =	ssyncadd.s32 $0xFFFFFE70  }
0x6c: {  	_ =	swait.ge [sflag:s0], $0x190  }
0x6d: {  	[sflag:s0] =	ssyncset.done $0x0  }
0x6e: {  	s25 =	simm.s32 $0x960;
	[sflag:s0] =	ssyncadd.s32 $0xFFFFFE70  }
0x6f: {  	[tilespmem:s25], [sflag:$0x4] =	stream.indirect.gather [hbm4b:s4+s1], $0x10, s3, s1, $0xb8;
	[tilespmem:$0x1F3D0] =	vst v63  }
0x70: {  	s8 =	simm.s32 $0x2;
	s20 =	smov.u32 s10;
	s25 =	smov.u32 s9  }
.LBB2_4:
0x71: {  	s11 =	sadd.s32 $0xFFFFFFFE, s8  }
0x72: {  	s12 =	smul.u32 $0xAB, s11;
	_ =	sdelay $0x1  }
0x73: {  	s12 =	sshrl.u32 s12, $0x9  }
0x74: {  	s12 =	sand.u32 $0x7F, s12  }
0x75: {  	s12 =	smul.u32 $0x3, s12;
	_ =	sdelay $0x1  }
0x76: {  	s13 =	sand.u32 $0xFF, s8;
	s12 =	ssub.s32 s11, s12  }
0x77: {  	s15 =	sadd.s32 $0xFFFFFFFF, s8;
	s13 =	smul.u32 $0xAB, s13;
	s12 =	sand.u32 $0xFF, s12  }
0x78: {  	s17 =	sand.u32 $0xFF, s15;
	s14 =	sor.u32 $0x4, s12;
	s16 =	smul.u32 $0x6400, s12  }
0x79: {  	s13 =	sshrl.u32 s13, $0x9;
	s18 =	smul.u32 $0x640, s12;
	_ =	swait.ge [sflag:s14], $0x1900  }
0x7a: {  	s13 =	smul.u32 $0x3, s13;
	s12 =	sadd.s32 $0x7, s12;
	[sflag:s14] =	ssyncset.done $0x0  }
0x7b: {  	s16 =	sshrl.u32 s16, $0x2;
	s18 =	sshrl.u32 s18, $0x2;
	[sflag:s14] =	ssyncadd.s32 $0xFFFFE700  }
0x7c: {  	s14 =	smul.u32 $0xAB, s17;
	s16 =	sadd.s32 $0x960, s16;
	s17 =	sadd.s32 $0x4B0, s18  }
0x7d: {  	[spmem:s2] =	stream.indirect.scatter.add.f32 [tilespmem:s16], [sflag:s12], $0x10, s17, s1, $0xb8;
	[tilespmem:$0x1F3D0] =	vst v63  }
0x7e: {  	s13 =	ssub.s32 s8, s13;
	s18 =	sshrl.u32 s14, $0x9  }
0x7f: {  	p1 =	seq.s32 s8, $0x2;
	s13 =	sand.u32 $0xFF, s13;
	s12 =	smul.u32 $0x3, s18  }
0x80: {  	s14 =	sadd.s32 @!p1 $0x7, s13  }
0x81: {  	p0 =	seq.s32 @!p1 s8, $0xFB;
	_ =	swait.ge @!p1 [sflag:s14], $0x1900;
	s12 =	ssub.s32 s15, s12  }
0x82: {  	p0 =	por p1, !p0;
	[sflag:s14] =	ssyncset.done @!p1 $0x0;
	s12 =	sand.u32 $0xFF, s12  }
0x83: {  	[sflag:s14] =	ssyncadd.s32 @!p1 $0xFFFFE700;
	s14 =	sadd.s32 @p0 $0x1, s12  }
0x84: {  	_ =	swait.ge @p0 [sflag:s14], $0x190  }
0x85: {  	[sflag:s14] =	ssyncset.done @p0 $0x0  }
0x86: {  	p1 =	sgt.u32 @p0 s11, $0xF7;
	[sflag:s14] =	ssyncadd.s32 @p0 $0xFFFFFE70  }
0x87: {  	p1 =	por p1, !p0;
	s16 =	smul.u32 @p0 $0x6400, s12;
	_ =	swait.ge @p0 [sflag:s14], $0x190  }
0x88: {  	s15 =	smul.u32 @p0 $0x640, s12;
	s12 =	sadd.s32 @p0 $0x4, s12;
	[sflag:s14] =	ssyncset.done @p0 $0x0  }
0x89: {  	s11 =	smul.u32 @!p1 $0x190, s13;
	[sflag:s14] =	ssyncadd.s32 @p0 $0xFFFFFE70;
	s14 =	sshrl.u32 @p0 s16, $0x2  }
0x8a: {  	s15 =	sshrl.u32 @p0 s15, $0x2;
	s16 =	simm.s32 @p0 $0x190;
	s14 =	sadd.s32 @p0 $0x960, s14  }
0x8b: {  	[tilespmem:s14], [sflag:s12] =	stream.indirect.gather @p0 [hbm4b:s4+s16], $0x10, s15, s16, $0xb8;
	[tilespmem:$0x1F3D0] =	vst v63  }
0x8c: {  	s12 =	sadd.s32 @!p1 $0x1, s13;
	s13 =	simm.s32 @!p1 $0x0  }
0x8d: {  	[tilespmem:s11], [sflag:s12] =	stream.linear.gather @!p1 [hbm4b:s25+s13], $0x190, $0x38;
	[tilespmem:$0x1F3D0] =	vst v63  }
0x8e: {  	s8 =	sadd.s32 @p0 $0x1, s8;
	s11 =	sadd.s32 @!p1 $0x4B0, s11  }
0x8f: {  	[tilespmem:s11], [sflag:s12] =	stream.linear.gather @!p1 [hbm4b:s20+s13], $0x190, $0x38;
	[tilespmem:$0x1F3D0] =	vst v63  }
0x90: {  	p1 =	sne.s32 @p0 s8, $0xFC  }
0x91: {  	p1 =	por !p0, !p1  }
.Ltmp1:
0x92: {  	_ = 	snop;
	(pc) =	sbr.rel @!p1 .LBB2_4-.Ltmp1, $2  }
0x93: {  	_ =	sdelay $0x2  }
0x94: {  	s25 =	sadd.s32 @p0 $0x32, s25;
	s20 =	sadd.s32 @p0 $0x32, s20  }
0x95: {  	_ =	swait.ge [sflag:s6], $0x1900;
	s8 =	stileid.u32  }
0x96: {  	s11 =	sshrl.u32 s5, $0x3;
	s7 =	sadd.s32 $0x1, s7;
	[sflag:s6] =	ssyncset.done $0x0  }
0x97: {  	s8 =	sshll.u32 s8, $0x6;
	p0 =	sne.s32 s7, s24;
	[sflag:s6] =	ssyncadd.s32 $0xFFFFE700  }
.Ltmp2:
0x98: {  	s8 =	sor.u32 $0x1C0A, s8;
	[bflag:$0x0] =	sbarrier.arrive $0xFFFF;
	(pc) =	sbr.rel @p0 .LBB2_1-.Ltmp2, $4  }
0x99: {  	[hbm:s23], [sflag:s8] =	dma.local [spmem:s11], $0x30E0  }
0x9a: {  	_ =	swait.ge [sflag:s31], $0x30E0  }
0x9b: {  	[sflag:s31] =	ssyncset.done $0x0  }
0x9c: {  	[sflag:s31] =	ssyncadd.s32 $0xFFFFCF20  }
0x9d: {  	_ =	sfence.sel $0x180000  }
0x9e: {  	[bflag:$0x0] =	sbarrier.arrive $0xFFFF  }
0x9f: {  	_ =	strace $0x90000047  }
0xa0: {  	s0 =	stileid.u32;
	[bflag:$0x2] =	sbarrier.arrive $0xFFFF  }
0xa1: {  	p0 =	sne.s32 s0, $0x0;
	s0 =	rddreg [dreg:$0x2]  }
0xa2: {  	s0 =	sadd.s32 @!p0 $0x100000, s0  }
0xa3: {  	[sflag:s0] =	ssyncadd.tile.s32 @!p0 $0x1;
	_ =	shalt  }
.Lfunc_end2:
_tile_overlayer_lowered:
.L_overlay_start_2:
0xa4: {  	(tag) =	ssettag $0x2  }
0xa5: {  	s0 =	rddreg [dreg:$0x0];
	s2 =	stileid.u32  }
0xa6: {  	s1 =	rddreg [dreg:$0x1];
	p0 =	sne.s32 s2, $0x0  }
0xa7: {  	s3 =	rddreg [dreg:$0x2];
	[bflag:$0x3] =	sbarrier.arrive $0xFFFF;
	s2 =	simm.s32 @!p0 $0x1C0A  }
0xa8: {  	[timem:s3], [sflag:s2] =	dma.local @!p0 [hbm:s0], s1  }
0xa9: {  	s0 =	simm.s32 @!p0 $0xA  }
0xaa: {  	_ =	swait.ge @!p0 [sflag:s0], s1  }
0xab: {  	s1 =	ssub.s32 @!p0 $0x0, s1;
	[sflag:s0] =	ssyncset.done @!p0 $0x0  }
0xac: {  	[sflag:s0] =	ssyncadd.s32 @!p0 s1  }
0xad: {  	[bflag:$0x3] =	sbarrier.arrive $0xFFFF  }
0xae: {  	_ =	shalt  }

</sc_bundles>
